<compile_context>
chip_gen: v7x
topology: tpu7x:2x2x1
jax: 0.10.2.dev20260603
libtpu: 0.0.44.dev20260713+nightly
codegen_flags: <defaults>
</compile_context>

<pallas_src>
import numpy as np
import jax
import jax.numpy as jnp
from jax import lax
from jax.experimental import pallas as pl
from jax.experimental.pallas import tpu as pltpu
from jax.experimental.pallas import tpu_sc as plsc

_VOCAB = 100000
_DEPTH = 64
_BATCH = 4096
_SEQ = 200


def _positional_table():
    effective_depth = _DEPTH / 2
    depth_vector = np.repeat(np.arange(effective_depth), 2)
    frequency_vector = 1 / 10000 ** (2 * depth_vector / _DEPTH)
    sequence_vector = np.arange(_SEQ)
    pos = sequence_vector.reshape([-1, 1]) * frequency_vector.reshape([1, -1])
    pos[:, ::2] = np.sin(pos[:, ::2])
    pos[:, 1::2] = np.cos(pos[:, 1::2])
    return pos.astype(np.float32)


_NC = 2
_NS = 16
_NW = _NC * _NS

_SPW = _BATCH // _NW
_SPLITS = ((0, 128), (128, 72))
_NBUF = 4
_LOOK = 2


def _sc_body(w_hbm, x_hbm, pos_hbm, out_hbm, idx_v, pos_v, rows_v,
             gsem, ssem):
    wid = lax.axis_index("s") * _NC + lax.axis_index("c")
    sbase = wid * _SPW

    pltpu.sync_copy(pos_hbm, pos_v)
    pltpu.sync_copy(x_hbm.at[pl.ds(sbase, _SPW)], idx_v)

    scale = jnp.float32(np.sqrt(float(_DEPTH)))

    def gather_part(t, s, off, n):
        return pltpu.make_async_copy(
            w_hbm.at[idx_v.at[t, pl.ds(off, n)]],
            rows_v.at[s, pl.ds(off, n)],
            gsem[s])

    def start_gather(t, s):
        for off, n in _SPLITS:
            gather_part(t, s, off, n).start()

    def wait_gather(t, s):
        for off, n in _SPLITS:
            gather_part(t, s, off, n).wait()

    def scatter(t, s):
        return pltpu.make_async_copy(rows_v.at[s], out_hbm.at[sbase + t],
                                     ssem[s])

    for s in range(_LOOK):
        start_gather(s, s)

    def outer(o, _):
        for b in range(_NBUF):
            t = o * _NBUF + b
            sp = (b + _LOOK) % _NBUF

            @pl.when(t + _LOOK < _SPW)
            def _():
                @pl.when(t >= _NBUF - _LOOK)
                def _():
                    scatter(t + _LOOK - _NBUF, sp).wait()
                start_gather(t + _LOOK, sp)

            wait_gather(t, b)

            @plsc.parallel_loop(0, _SEQ, unroll=4)
            def _(e):
                for p in range(_DEPTH // 16):
                    sl = pl.ds(p * 16, 16)
                    rows_v[b, e, sl] = rows_v[b, e, sl] * scale + pos_v[e, sl]

            scatter(t, b).start()
        return 0

    lax.fori_loop(0, _SPW // _NBUF, outer, 0)

    for s in range(_NBUF):
        scatter(_SPW - _NBUF + s, s).wait()


_RPB = _SPW * _SEQ * _DEPTH // 128


def _tc_transpose(y_ref, out_ref):
    x = y_ref[...]
    t = jnp.swapaxes(x.reshape(128, _RPB), 0, 1)
    out_ref[...] = t.reshape(_SEQ, 8, 1, 8, 128)


@jax.jit
def _embed(x, W):
    pos = jnp.asarray(_positional_table())
    mesh = plsc.VectorSubcoreMesh(core_axis_name="c", subcore_axis_name="s")
    y = pl.kernel(
        _sc_body,
        mesh=mesh,
        compiler_params=pltpu.CompilerParams(use_tc_tiling_on_sc=False),
        out_type=jax.ShapeDtypeStruct((_BATCH, _SEQ, _DEPTH), jnp.float32),
        scratch_types=[
            pltpu.VMEM((_SPW, _SEQ), jnp.int32),
            pltpu.VMEM((_SEQ, _DEPTH), jnp.float32),
            pltpu.VMEM((_NBUF, _SEQ, _DEPTH), jnp.float32),
            [pltpu.SemaphoreType.DMA] * _NBUF,
            [pltpu.SemaphoreType.DMA] * _NBUF,
        ],
    )(W, x, pos)
    y2 = y.reshape(_BATCH * _SEQ * _DEPTH // 128, 128)
    out5 = pl.pallas_call(
        _tc_transpose,
        grid=(_NW,),
        in_specs=[pl.BlockSpec((_RPB, 128), lambda i: (i, 0))],
        out_specs=pl.BlockSpec((_SEQ, 8, 1, 8, 128),
                               lambda i: (0, 0, i, 0, 0)),
        out_shape=jax.ShapeDtypeStruct((_SEQ, 8, _NW, 8, 128), jnp.float32),
    )(y2)
    return out5.transpose(2, 4, 0, 1, 3).reshape(_BATCH, _SEQ, _DEPTH)


def kernel(x, W):
    return _embed(x, W)

# --- scband reference (transcript-rebuilt; emitter-appended) ---
"""Pipeline reference for scband-positional-embedding-63668595196376 (READ-ONLY COPY).

The authoritative reference and input builder live on the scoring server;
editing this copy changes nothing except your own understanding.
"""

import jax, jax.numpy as jnp
import numpy as np

VOCAB = 100000
DEPTH = 64
BATCH = 4096
SEQ = 200


def _positional_encoding(length, depth):
    effective_depth = depth / 2
    depth_vector = np.repeat(np.arange(effective_depth), 2)
    frequency_vector = 1 / 10000 ** (2 * depth_vector / depth)
    sequence_vector = np.arange(length)
    pos_encoding = sequence_vector.reshape([-1, 1]) * frequency_vector.reshape([1, -1])
    pos_encoding[:, ::2] = np.sin(pos_encoding[:, ::2])
    pos_encoding[:, 1::2] = np.cos(pos_encoding[:, 1::2])
    return jnp.asarray(pos_encoding, dtype=jnp.float32)


def setup_inputs(seed: int = 0) -> dict:
    key = jax.random.key(seed)
    k1, k2 = jax.random.split(key)
    x = jax.random.randint(k1, (BATCH, SEQ), 0, VOCAB, dtype=jnp.int32)
    # learned embedding table per init_kwargs (vocab_size=100000, depth=64)
    W = jax.random.normal(k2, (VOCAB, DEPTH), dtype=jnp.float32) * 0.02
    return {"x": x, "W": W}


def reference(x, W):
    pos_enc = _positional_encoding(VOCAB, DEPTH)  # [vocab, depth] buffer, matches original
    length = x.shape[1]
    out = jnp.take(W, x, axis=0)  # embedding gather -> [B, S, depth]
    out = out * jnp.sqrt(jnp.asarray(DEPTH, dtype=jnp.float32))
    out = out + pos_enc[jnp.newaxis, :length, :]
    return out

if __name__ == "__main__":
    import jax
    _d = setup_inputs()
    print(jax.jit(kernel)(*tuple(_d.values())))

</pallas_src>

<mosaic_0001>
#map = affine_map<(d0, d1) -> (0, 0)>
#map1 = affine_map<(d0, d1) -> (0, 0, 0)>
module attributes {stable_mosaic.version = 14 : i64} {
  func.func @_sc_body(%arg0: i32, %arg1: i32, %arg2: memref<100000x64xf32, #tpu.memory_space<hbm>>, %arg3: memref<4096x200xi32, #tpu.memory_space<hbm>>, %arg4: memref<200x64xf32, #tpu.memory_space<hbm>>, %arg5: memref<4096x200x64xf32, #tpu.memory_space<hbm>>, %arg6: memref<128x200xi32, #tpu.memory_space<vmem>>, %arg7: memref<200x64xf32, #tpu.memory_space<vmem>>, %arg8: memref<4x200x64xf32, #tpu.memory_space<vmem>>, %arg9: memref<!tpu.dma_semaphore, #tpu.memory_space<semaphore_mem>>, %arg10: memref<!tpu.dma_semaphore, #tpu.memory_space<semaphore_mem>>, %arg11: memref<!tpu.dma_semaphore, #tpu.memory_space<semaphore_mem>>, %arg12: memref<!tpu.dma_semaphore, #tpu.memory_space<semaphore_mem>>, %arg13: memref<!tpu.dma_semaphore, #tpu.memory_space<semaphore_mem>>, %arg14: memref<!tpu.dma_semaphore, #tpu.memory_space<semaphore_mem>>, %arg15: memref<!tpu.dma_semaphore, #tpu.memory_space<semaphore_mem>>, %arg16: memref<!tpu.dma_semaphore, #tpu.memory_space<semaphore_mem>>) attributes {dimension_semantics = [#tpu.dimension_semantics<core_parallel>, #tpu.dimension_semantics<subcore_parallel>], iteration_bounds = array<i64: 2, 16>, scalar_prefetch = 0 : i64, scratch_operands = 11 : i64, tpu.core_type = #tpu.core_type<sc_vector_subcore>, window_params = [{transform_indices = #map}, {transform_indices = #map}, {transform_indices = #map}, {transform_indices = #map1}]} {
    %mul3A = arith.constant 2 : i32
    %mul3A_0 = arith.muli %arg1, %mul3A : i32
    %add3A = arith.addi %mul3A_0, %arg0 : i32
    %mul3A_1 = arith.constant 128 : i32
    %mul3A_2 = arith.muli %add3A, %mul3A_1 : i32
    "tpu.region"() ({
      %run_scoped3A = tpu.sem_alloc : memref<!tpu.dma_semaphore, #tpu.memory_space<semaphore_mem>>
      tpu.enqueue_dma source(%arg4 : memref<200x64xf32, #tpu.memory_space<hbm>>) target(%arg7 : memref<200x64xf32, #tpu.memory_space<vmem>>) target_semaphore(%run_scoped3A : memref<!tpu.dma_semaphore, #tpu.memory_space<semaphore_mem>>)
      tpu.wait_dma2 semaphore(%run_scoped3A : memref<!tpu.dma_semaphore, #tpu.memory_space<semaphore_mem>>) src(%arg4 : memref<200x64xf32, #tpu.memory_space<hbm>>) dst(%arg7 : memref<200x64xf32, #tpu.memory_space<vmem>>)
      tpu.yield
    }) : () -> ()
    "tpu.region"() ({
      %run_scoped3A = tpu.sem_alloc : memref<!tpu.dma_semaphore, #tpu.memory_space<semaphore_mem>>
      %dma_start3A_132 = arith.constant 0 : i32
      %dma_start3A_133 = tpu.memref_slice %arg3[%mul3A_2, %dma_start3A_132] : memref<4096x200xi32, #tpu.memory_space<hbm>> -> memref<128x200xi32, #tpu.memory_space<hbm>>
      %dma_start3A_134 = arith.constant 0 : i32
      %dma_start3A_135 = tpu.memref_slice %arg3[%mul3A_2, %dma_start3A_134] : memref<4096x200xi32, #tpu.memory_space<hbm>> -> memref<128x200xi32, #tpu.memory_space<hbm>>
      tpu.enqueue_dma source(%dma_start3A_135 : memref<128x200xi32, #tpu.memory_space<hbm>>) target(%arg6 : memref<128x200xi32, #tpu.memory_space<vmem>>) target_semaphore(%run_scoped3A : memref<!tpu.dma_semaphore, #tpu.memory_space<semaphore_mem>>)
      %dma_wait3A_136 = arith.constant 0 : i32
      %dma_wait3A_137 = tpu.memref_slice %arg3[%mul3A_2, %dma_wait3A_136] : memref<4096x200xi32, #tpu.memory_space<hbm>> -> memref<128x200xi32, #tpu.memory_space<hbm>>
      %dma_wait3A_138 = arith.constant 0 : i32
      %dma_wait3A_139 = tpu.memref_slice %arg3[%mul3A_2, %dma_wait3A_138] : memref<4096x200xi32, #tpu.memory_space<hbm>> -> memref<128x200xi32, #tpu.memory_space<hbm>>
      tpu.wait_dma2 semaphore(%run_scoped3A : memref<!tpu.dma_semaphore, #tpu.memory_space<semaphore_mem>>) src(%dma_wait3A_139 : memref<128x200xi32, #tpu.memory_space<hbm>>) dst(%arg6 : memref<128x200xi32, #tpu.memory_space<vmem>>)
      tpu.yield
    }) : () -> ()
    %dma_start3A = arith.constant 0 : i32
    %dma_start3A_3 = arith.constant 0 : i32
    %dma_start3A_4 = arith.constant 0 : i32
    %dma_start3A_5 = arith.constant 0 : i32
    %dma_start3A_6 = tpu.memref_slice %arg8[%dma_start3A_3, %dma_start3A_4, %dma_start3A_5] : memref<4x200x64xf32, #tpu.memory_space<vmem>> -> memref<1x128x64xf32, #tpu.memory_space<vmem>>
    %dma_start3A_7 = tpu.memref_squeeze %dma_start3A_6 : memref<1x128x64xf32, #tpu.memory_space<vmem>> -> memref<128x64xf32, #tpu.memory_space<vmem>>
    %dma_start3A_8 = arith.constant 0 : i32
    %dma_start3A_9 = tpu.memref_slice %arg6[%dma_start3A, %dma_start3A_8] : memref<128x200xi32, #tpu.memory_space<vmem>> -> memref<1x128xi32, #tpu.memory_space<vmem>>
    %dma_start3A_10 = tpu.memref_squeeze %dma_start3A_9 : memref<1x128xi32, #tpu.memory_space<vmem>> -> memref<128xi32, #tpu.memory_space<vmem>>
    %dma_start3A_11 = arith.constant 0 : i32
    %dma_start3A_12 = arith.constant 0 : i32
    %dma_start3A_13 = tpu.memref_slice %arg2[%dma_start3A_11, %dma_start3A_12] : memref<100000x64xf32, #tpu.memory_space<hbm>> -> memref<100000x64xf32, #tpu.memory_space<hbm>>
    tpu.enqueue_indirect_dma source(%dma_start3A_13 : memref<100000x64xf32, #tpu.memory_space<hbm>>) target(%dma_start3A_7 : memref<128x64xf32, #tpu.memory_space<vmem>>) offsets(%dma_start3A_10 : memref<128xi32, #tpu.memory_space<vmem>>) semaphore(%arg9 : memref<!tpu.dma_semaphore, #tpu.memory_space<semaphore_mem>>)
    %dma_start3A_14 = arith.constant 0 : i32
    %dma_start3A_15 = arith.constant 0 : i32
    %dma_start3A_16 = arith.constant 128 : i32
    %dma_start3A_17 = arith.constant 0 : i32
    %dma_start3A_18 = tpu.memref_slice %arg8[%dma_start3A_15, %dma_start3A_16, %dma_start3A_17] : memref<4x200x64xf32, #tpu.memory_space<vmem>> -> memref<1x72x64xf32, #tpu.memory_space<vmem>>
    %dma_start3A_19 = tpu.memref_squeeze %dma_start3A_18 : memref<1x72x64xf32, #tpu.memory_space<vmem>> -> memref<72x64xf32, #tpu.memory_space<vmem>>
    %dma_start3A_20 = arith.constant 128 : i32
    %dma_start3A_21 = tpu.memref_slice %arg6[%dma_start3A_14, %dma_start3A_20] : memref<128x200xi32, #tpu.memory_space<vmem>> -> memref<1x72xi32, #tpu.memory_space<vmem>>
    %dma_start3A_22 = tpu.memref_squeeze %dma_start3A_21 : memref<1x72xi32, #tpu.memory_space<vmem>> -> memref<72xi32, #tpu.memory_space<vmem>>
    %dma_start3A_23 = arith.constant 0 : i32
    %dma_start3A_24 = arith.constant 0 : i32
    %dma_start3A_25 = tpu.memref_slice %arg2[%dma_start3A_23, %dma_start3A_24] : memref<100000x64xf32, #tpu.memory_space<hbm>> -> memref<100000x64xf32, #tpu.memory_space<hbm>>
    tpu.enqueue_indirect_dma source(%dma_start3A_25 : memref<100000x64xf32, #tpu.memory_space<hbm>>) target(%dma_start3A_19 : memref<72x64xf32, #tpu.memory_space<vmem>>) offsets(%dma_start3A_22 : memref<72xi32, #tpu.memory_space<vmem>>) semaphore(%arg9 : memref<!tpu.dma_semaphore, #tpu.memory_space<semaphore_mem>>)
    %dma_start3A_26 = arith.constant 1 : i32
    %dma_start3A_27 = arith.constant 1 : i32
    %dma_start3A_28 = arith.constant 0 : i32
    %dma_start3A_29 = arith.constant 0 : i32
    %dma_start3A_30 = tpu.memref_slice %arg8[%dma_start3A_27, %dma_start3A_28, %dma_start3A_29] : memref<4x200x64xf32, #tpu.memory_space<vmem>> -> memref<1x128x64xf32, #tpu.memory_space<vmem>>
    %dma_start3A_31 = tpu.memref_squeeze %dma_start3A_30 : memref<1x128x64xf32, #tpu.memory_space<vmem>> -> memref<128x64xf32, #tpu.memory_space<vmem>>
    %dma_start3A_32 = arith.constant 0 : i32
    %dma_start3A_33 = tpu.memref_slice %arg6[%dma_start3A_26, %dma_start3A_32] : memref<128x200xi32, #tpu.memory_space<vmem>> -> memref<1x128xi32, #tpu.memory_space<vmem>>
    %dma_start3A_34 = tpu.memref_squeeze %dma_start3A_33 : memref<1x128xi32, #tpu.memory_space<vmem>> -> memref<128xi32, #tpu.memory_space<vmem>>
    %dma_start3A_35 = arith.constant 0 : i32
    %dma_start3A_36 = arith.constant 0 : i32
    %dma_start3A_37 = tpu.memref_slice %arg2[%dma_start3A_35, %dma_start3A_36] : memref<100000x64xf32, #tpu.memory_space<hbm>> -> memref<100000x64xf32, #tpu.memory_space<hbm>>
    tpu.enqueue_indirect_dma source(%dma_start3A_37 : memref<100000x64xf32, #tpu.memory_space<hbm>>) target(%dma_start3A_31 : memref<128x64xf32, #tpu.memory_space<vmem>>) offsets(%dma_start3A_34 : memref<128xi32, #tpu.memory_space<vmem>>) semaphore(%arg10 : memref<!tpu.dma_semaphore, #tpu.memory_space<semaphore_mem>>)
    %dma_start3A_38 = arith.constant 1 : i32
    %dma_start3A_39 = arith.constant 1 : i32
    %dma_start3A_40 = arith.constant 128 : i32
    %dma_start3A_41 = arith.constant 0 : i32
    %dma_start3A_42 = tpu.memref_slice %arg8[%dma_start3A_39, %dma_start3A_40, %dma_start3A_41] : memref<4x200x64xf32, #tpu.memory_space<vmem>> -> memref<1x72x64xf32, #tpu.memory_space<vmem>>
    %dma_start3A_43 = tpu.memref_squeeze %dma_start3A_42 : memref<1x72x64xf32, #tpu.memory_space<vmem>> -> memref<72x64xf32, #tpu.memory_space<vmem>>
    %dma_start3A_44 = arith.constant 128 : i32
    %dma_start3A_45 = tpu.memref_slice %arg6[%dma_start3A_38, %dma_start3A_44] : memref<128x200xi32, #tpu.memory_space<vmem>> -> memref<1x72xi32, #tpu.memory_space<vmem>>
    %dma_start3A_46 = tpu.memref_squeeze %dma_start3A_45 : memref<1x72xi32, #tpu.memory_space<vmem>> -> memref<72xi32, #tpu.memory_space<vmem>>
    %dma_start3A_47 = arith.constant 0 : i32
    %dma_start3A_48 = arith.constant 0 : i32
    %dma_start3A_49 = tpu.memref_slice %arg2[%dma_start3A_47, %dma_start3A_48] : memref<100000x64xf32, #tpu.memory_space<hbm>> -> memref<100000x64xf32, #tpu.memory_space<hbm>>
    tpu.enqueue_indirect_dma source(%dma_start3A_49 : memref<100000x64xf32, #tpu.memory_space<hbm>>) target(%dma_start3A_43 : memref<72x64xf32, #tpu.memory_space<vmem>>) offsets(%dma_start3A_46 : memref<72xi32, #tpu.memory_space<vmem>>) semaphore(%arg10 : memref<!tpu.dma_semaphore, #tpu.memory_space<semaphore_mem>>)
    %scan3A = arith.constant 8.000000e+00 : f32
    %scan3A_50 = arith.constant 0 : i32
    %scan3A_51 = arith.constant 0 : i32
    %scan3A_52 = arith.constant 32 : i32
    %scan3A_53 = arith.addi %scan3A_51, %scan3A_52 : i32
    %scan3A_54 = arith.constant 1 : i32
    %scan3A_55 = scf.for %scan3A_132 = %scan3A_51 to %scan3A_53 step %scan3A_54 iter_args(%scan3A_133 = %scan3A_50) -> (i32)  : i32 {
      %mul3A_134 = arith.constant 4 : i32
      %mul3A_135 = arith.muli %scan3A_132, %mul3A_134 : i32
      %add3A_136 = arith.constant 0 : i32
      %add3A_137 = arith.addi %mul3A_135, %add3A_136 : i32
      %add3A_138 = arith.constant 2 : i32
      %add3A_139 = arith.addi %add3A_137, %add3A_138 : i32
      %lt3A = arith.constant 128 : i32
      %lt3A_140 = arith.cmpi slt, %add3A_139, %lt3A : i32
      %convert_element_type3A = arith.extui %lt3A_140 : i1 to i32
      %cond3A = arith.constant 0 : i32
      %cond3A_141 = arith.cmpi ne, %convert_element_type3A, %cond3A : i32
      scf.if %cond3A_141 {
        %ge3A = arith.constant 2 : i32
        %ge3A_347 = arith.cmpi sge, %add3A_137, %ge3A : i32
        %convert_element_type3A_348 = arith.extui %ge3A_347 : i1 to i32
        %cond3A_349 = arith.constant 0 : i32
        %cond3A_350 = arith.cmpi ne, %convert_element_type3A_348, %cond3A_349 : i32
        scf.if %cond3A_350 {
          %add3A_375 = arith.constant 2 : i32
          %add3A_376 = arith.addi %add3A_137, %add3A_375 : i32
          %sub3A = arith.constant 4 : i32
          %sub3A_377 = arith.subi %add3A_376, %sub3A : i32
          %add3A_378 = arith.addi %mul3A_2, %sub3A_377 : i32
          %dma_wait3A_379 = arith.constant 2 : i32
          %dma_wait3A_380 = arith.constant 0 : i32
          %dma_wait3A_381 = arith.constant 0 : i32
          %dma_wait3A_382 = tpu.memref_slice %arg8[%dma_wait3A_379, %dma_wait3A_380, %dma_wait3A_381] : memref<4x200x64xf32, #tpu.memory_space<vmem>> -> memref<1x200x64xf32, #tpu.memory_space<vmem>>
          %dma_wait3A_383 = tpu.memref_squeeze %dma_wait3A_382 : memref<1x200x64xf32, #tpu.memory_space<vmem>> -> memref<200x64xf32, #tpu.memory_space<vmem>>
          %dma_wait3A_384 = arith.constant 0 : i32
          %dma_wait3A_385 = arith.constant 0 : i32
          %dma_wait3A_386 = tpu.memref_slice %arg5[%add3A_378, %dma_wait3A_384, %dma_wait3A_385] : memref<4096x200x64xf32, #tpu.memory_space<hbm>> -> memref<1x200x64xf32, #tpu.memory_space<hbm>>
          %dma_wait3A_387 = tpu.memref_squeeze %dma_wait3A_386 : memref<1x200x64xf32, #tpu.memory_space<hbm>> -> memref<200x64xf32, #tpu.memory_space<hbm>>
          %dma_wait3A_388 = arith.constant 0 : i32
          %dma_wait3A_389 = arith.constant 0 : i32
          %dma_wait3A_390 = tpu.memref_slice %arg5[%add3A_378, %dma_wait3A_388, %dma_wait3A_389] : memref<4096x200x64xf32, #tpu.memory_space<hbm>> -> memref<1x200x64xf32, #tpu.memory_space<hbm>>
          %dma_wait3A_391 = tpu.memref_squeeze %dma_wait3A_390 : memref<1x200x64xf32, #tpu.memory_space<hbm>> -> memref<200x64xf32, #tpu.memory_space<hbm>>
          %dma_wait3A_392 = arith.constant 0 : i32
          %dma_wait3A_393 = arith.constant 0 : i32
          %dma_wait3A_394 = tpu.memref_slice %arg8[%dma_wait3A_379, %dma_wait3A_392, %dma_wait3A_393] : memref<4x200x64xf32, #tpu.memory_space<vmem>> -> memref<1x200x64xf32, #tpu.memory_space<vmem>>
          %dma_wait3A_395 = tpu.memref_squeeze %dma_wait3A_394 : memref<1x200x64xf32, #tpu.memory_space<vmem>> -> memref<200x64xf32, #tpu.memory_space<vmem>>
          tpu.wait_dma2 semaphore(%arg15 : memref<!tpu.dma_semaphore, #tpu.memory_space<semaphore_mem>>) src(%dma_wait3A_395 : memref<200x64xf32, #tpu.memory_space<vmem>>) dst(%dma_wait3A_391 : memref<200x64xf32, #tpu.memory_space<hbm>>)
        } else {
        }
        %add3A_351 = arith.constant 2 : i32
        %add3A_352 = arith.addi %add3A_137, %add3A_351 : i32
        %dma_start3A_353 = arith.constant 2 : i32
        %dma_start3A_354 = arith.constant 0 : i32
        %dma_start3A_355 = arith.constant 0 : i32
        %dma_start3A_356 = tpu.memref_slice %arg8[%dma_start3A_353, %dma_start3A_354, %dma_start3A_355] : memref<4x200x64xf32, #tpu.memory_space<vmem>> -> memref<1x128x64xf32, #tpu.memory_space<vmem>>
        %dma_start3A_357 = tpu.memref_squeeze %dma_start3A_356 : memref<1x128x64xf32, #tpu.memory_space<vmem>> -> memref<128x64xf32, #tpu.memory_space<vmem>>
        %dma_start3A_358 = arith.constant 0 : i32
        %dma_start3A_359 = tpu.memref_slice %arg6[%add3A_352, %dma_start3A_358] : memref<128x200xi32, #tpu.memory_space<vmem>> -> memref<1x128xi32, #tpu.memory_space<vmem>>
        %dma_start3A_360 = tpu.memref_squeeze %dma_start3A_359 : memref<1x128xi32, #tpu.memory_space<vmem>> -> memref<128xi32, #tpu.memory_space<vmem>>
        %dma_start3A_361 = arith.constant 0 : i32
        %dma_start3A_362 = arith.constant 0 : i32
        %dma_start3A_363 = tpu.memref_slice %arg2[%dma_start3A_361, %dma_start3A_362] : memref<100000x64xf32, #tpu.memory_space<hbm>> -> memref<100000x64xf32, #tpu.memory_space<hbm>>
        tpu.enqueue_indirect_dma source(%dma_start3A_363 : memref<100000x64xf32, #tpu.memory_space<hbm>>) target(%dma_start3A_357 : memref<128x64xf32, #tpu.memory_space<vmem>>) offsets(%dma_start3A_360 : memref<128xi32, #tpu.memory_space<vmem>>) semaphore(%arg11 : memref<!tpu.dma_semaphore, #tpu.memory_space<semaphore_mem>>)
        %dma_start3A_364 = arith.constant 2 : i32
        %dma_start3A_365 = arith.constant 128 : i32
        %dma_start3A_366 = arith.constant 0 : i32
        %dma_start3A_367 = tpu.memref_slice %arg8[%dma_start3A_364, %dma_start3A_365, %dma_start3A_366] : memref<4x200x64xf32, #tpu.memory_space<vmem>> -> memref<1x72x64xf32, #tpu.memory_space<vmem>>
        %dma_start3A_368 = tpu.memref_squeeze %dma_start3A_367 : memref<1x72x64xf32, #tpu.memory_space<vmem>> -> memref<72x64xf32, #tpu.memory_space<vmem>>
        %dma_start3A_369 = arith.constant 128 : i32
        %dma_start3A_370 = tpu.memref_slice %arg6[%add3A_352, %dma_start3A_369] : memref<128x200xi32, #tpu.memory_space<vmem>> -> memref<1x72xi32, #tpu.memory_space<vmem>>
        %dma_start3A_371 = tpu.memref_squeeze %dma_start3A_370 : memref<1x72xi32, #tpu.memory_space<vmem>> -> memref<72xi32, #tpu.memory_space<vmem>>
        %dma_start3A_372 = arith.constant 0 : i32
        %dma_start3A_373 = arith.constant 0 : i32
        %dma_start3A_374 = tpu.memref_slice %arg2[%dma_start3A_372, %dma_start3A_373] : memref<100000x64xf32, #tpu.memory_space<hbm>> -> memref<100000x64xf32, #tpu.memory_space<hbm>>
        tpu.enqueue_indirect_dma source(%dma_start3A_374 : memref<100000x64xf32, #tpu.memory_space<hbm>>) target(%dma_start3A_368 : memref<72x64xf32, #tpu.memory_space<vmem>>) offsets(%dma_start3A_371 : memref<72xi32, #tpu.memory_space<vmem>>) semaphore(%arg11 : memref<!tpu.dma_semaphore, #tpu.memory_space<semaphore_mem>>)
      } else {
      }
      %dma_wait3A_142 = arith.constant 0 : i32
      %dma_wait3A_143 = arith.constant 0 : i32
      %dma_wait3A_144 = arith.constant 0 : i32
      %dma_wait3A_145 = tpu.memref_slice %arg8[%dma_wait3A_142, %dma_wait3A_143, %dma_wait3A_144] : memref<4x200x64xf32, #tpu.memory_space<vmem>> -> memref<1x128x64xf32, #tpu.memory_space<vmem>>
      %dma_wait3A_146 = tpu.memref_squeeze %dma_wait3A_145 : memref<1x128x64xf32, #tpu.memory_space<vmem>> -> memref<128x64xf32, #tpu.memory_space<vmem>>
      %dma_wait3A_147 = arith.constant 0 : i32
      %dma_wait3A_148 = tpu.memref_slice %arg6[%add3A_137, %dma_wait3A_147] : memref<128x200xi32, #tpu.memory_space<vmem>> -> memref<1x128xi32, #tpu.memory_space<vmem>>
      %dma_wait3A_149 = tpu.memref_squeeze %dma_wait3A_148 : memref<1x128xi32, #tpu.memory_space<vmem>> -> memref<128xi32, #tpu.memory_space<vmem>>
      %dma_wait3A_150 = arith.constant 0 : i32
      %dma_wait3A_151 = arith.constant 0 : i32
      %dma_wait3A_152 = tpu.memref_slice %arg2[%dma_wait3A_150, %dma_wait3A_151] : memref<100000x64xf32, #tpu.memory_space<hbm>> -> memref<100000x64xf32, #tpu.memory_space<hbm>>
      tpu.wait_indirect_dma semaphore(%arg9 : memref<!tpu.dma_semaphore, #tpu.memory_space<semaphore_mem>>) src(%dma_wait3A_152 : memref<100000x64xf32, #tpu.memory_space<hbm>>) dst(%dma_wait3A_146 : memref<128x64xf32, #tpu.memory_space<vmem>>)
      %dma_wait3A_153 = arith.constant 0 : i32
      %dma_wait3A_154 = arith.constant 128 : i32
      %dma_wait3A_155 = arith.constant 0 : i32
      %dma_wait3A_156 = tpu.memref_slice %arg8[%dma_wait3A_153, %dma_wait3A_154, %dma_wait3A_155] : memref<4x200x64xf32, #tpu.memory_space<vmem>> -> memref<1x72x64xf32, #tpu.memory_space<vmem>>
      %dma_wait3A_157 = tpu.memref_squeeze %dma_wait3A_156 : memref<1x72x64xf32, #tpu.memory_space<vmem>> -> memref<72x64xf32, #tpu.memory_space<vmem>>
      %dma_wait3A_158 = arith.constant 128 : i32
      %dma_wait3A_159 = tpu.memref_slice %arg6[%add3A_137, %dma_wait3A_158] : memref<128x200xi32, #tpu.memory_space<vmem>> -> memref<1x72xi32, #tpu.memory_space<vmem>>
      %dma_wait3A_160 = tpu.memref_squeeze %dma_wait3A_159 : memref<1x72xi32, #tpu.memory_space<vmem>> -> memref<72xi32, #tpu.memory_space<vmem>>
      %dma_wait3A_161 = arith.constant 0 : i32
      %dma_wait3A_162 = arith.constant 0 : i32
      %dma_wait3A_163 = tpu.memref_slice %arg2[%dma_wait3A_161, %dma_wait3A_162] : memref<100000x64xf32, #tpu.memory_space<hbm>> -> memref<100000x64xf32, #tpu.memory_space<hbm>>
      tpu.wait_indirect_dma semaphore(%arg9 : memref<!tpu.dma_semaphore, #tpu.memory_space<semaphore_mem>>) src(%dma_wait3A_163 : memref<100000x64xf32, #tpu.memory_space<hbm>>) dst(%dma_wait3A_157 : memref<72x64xf32, #tpu.memory_space<vmem>>)
      %parallel_loop3A = arith.constant 0 : i32
      %parallel_loop3A_164 = arith.constant 200 : i32
      %parallel_loop3A_165 = arith.constant 1 : i32
      scf.for %parallel_loop3A_347 = %parallel_loop3A to %parallel_loop3A_164 step %parallel_loop3A_165  : i32 {
        %parallel_loop3A_348 = arith.constant 0 : i32
        %parallel_loop3A_349 = arith.index_cast %parallel_loop3A_348 : i32 to index
        %parallel_loop3A_350 = arith.index_cast %parallel_loop3A_347 : i32 to index
        %parallel_loop3A_351 = arith.constant 0 : index
        %parallel_loop3A_352 = tpu.vector_load %arg8[%parallel_loop3A_349, %parallel_loop3A_350, %parallel_loop3A_351] {strides = array<i32>} : memref<4x200x64xf32, #tpu.memory_space<vmem>>, vector<1x1x16xf32>,
        %parallel_loop3A_353 = vector.shape_cast %parallel_loop3A_352 : vector<1x1x16xf32> to vector<16xf32>
        %parallel_loop3A_354 = vector.broadcast %scan3A : f32 to vector<16xf32>
        %parallel_loop3A_355 = arith.mulf %parallel_loop3A_353, %parallel_loop3A_354 : vector<16xf32>
        %parallel_loop3A_356 = arith.index_cast %parallel_loop3A_347 : i32 to index
        %parallel_loop3A_357 = arith.constant 0 : index
        %parallel_loop3A_358 = tpu.vector_load %arg7[%parallel_loop3A_356, %parallel_loop3A_357] {strides = array<i32>} : memref<200x64xf32, #tpu.memory_space<vmem>>, vector<1x16xf32>,
        %parallel_loop3A_359 = vector.shape_cast %parallel_loop3A_358 : vector<1x16xf32> to vector<16xf32>
        %parallel_loop3A_360 = arith.addf %parallel_loop3A_355, %parallel_loop3A_359 : vector<16xf32>
        %parallel_loop3A_361 = arith.constant 0 : i32
        %parallel_loop3A_362 = arith.index_cast %parallel_loop3A_361 : i32 to index
        %parallel_loop3A_363 = arith.index_cast %parallel_loop3A_347 : i32 to index
        %parallel_loop3A_364 = arith.constant 0 : index
        %parallel_loop3A_365 = tpu.vector_load %arg8[%parallel_loop3A_362, %parallel_loop3A_363, %parallel_loop3A_364] {strides = array<i32>} : memref<4x200x64xf32, #tpu.memory_space<vmem>>, vector<1x1x16xf32>,
        %parallel_loop3A_366 = vector.shape_cast %parallel_loop3A_365 : vector<1x1x16xf32> to vector<16xf32>
        %parallel_loop3A_367 = vector.shape_cast %parallel_loop3A_360 : vector<16xf32> to vector<1x1x16xf32>
        tpu.vector_store %arg8[%parallel_loop3A_362, %parallel_loop3A_363, %parallel_loop3A_364], %parallel_loop3A_367 {strides = array<i32>} : memref<4x200x64xf32, #tpu.memory_space<vmem>>, vector<1x1x16xf32>,
        %parallel_loop3A_368 = arith.constant 0 : i32
        %parallel_loop3A_369 = arith.index_cast %parallel_loop3A_368 : i32 to index
        %parallel_loop3A_370 = arith.index_cast %parallel_loop3A_347 : i32 to index
        %parallel_loop3A_371 = arith.constant 16 : index
        %parallel_loop3A_372 = tpu.vector_load %arg8[%parallel_loop3A_369, %parallel_loop3A_370, %parallel_loop3A_371] {strides = array<i32>} : memref<4x200x64xf32, #tpu.memory_space<vmem>>, vector<1x1x16xf32>,
        %parallel_loop3A_373 = vector.shape_cast %parallel_loop3A_372 : vector<1x1x16xf32> to vector<16xf32>
        %parallel_loop3A_374 = vector.broadcast %scan3A : f32 to vector<16xf32>
        %parallel_loop3A_375 = arith.mulf %parallel_loop3A_373, %parallel_loop3A_374 : vector<16xf32>
        %parallel_loop3A_376 = arith.index_cast %parallel_loop3A_347 : i32 to index
        %parallel_loop3A_377 = arith.constant 16 : index
        %parallel_loop3A_378 = tpu.vector_load %arg7[%parallel_loop3A_376, %parallel_loop3A_377] {strides = array<i32>} : memref<200x64xf32, #tpu.memory_space<vmem>>, vector<1x16xf32>,
        %parallel_loop3A_379 = vector.shape_cast %parallel_loop3A_378 : vector<1x16xf32> to vector<16xf32>
        %parallel_loop3A_380 = arith.addf %parallel_loop3A_375, %parallel_loop3A_379 : vector<16xf32>
        %parallel_loop3A_381 = arith.constant 0 : i32
        %parallel_loop3A_382 = arith.index_cast %parallel_loop3A_381 : i32 to index
        %parallel_loop3A_383 = arith.index_cast %parallel_loop3A_347 : i32 to index
        %parallel_loop3A_384 = arith.constant 16 : index
        %parallel_loop3A_385 = tpu.vector_load %arg8[%parallel_loop3A_382, %parallel_loop3A_383, %parallel_loop3A_384] {strides = array<i32>} : memref<4x200x64xf32, #tpu.memory_space<vmem>>, vector<1x1x16xf32>,
        %parallel_loop3A_386 = vector.shape_cast %parallel_loop3A_385 : vector<1x1x16xf32> to vector<16xf32>
        %parallel_loop3A_387 = vector.shape_cast %parallel_loop3A_380 : vector<16xf32> to vector<1x1x16xf32>
        tpu.vector_store %arg8[%parallel_loop3A_382, %parallel_loop3A_383, %parallel_loop3A_384], %parallel_loop3A_387 {strides = array<i32>} : memref<4x200x64xf32, #tpu.memory_space<vmem>>, vector<1x1x16xf32>,
        %parallel_loop3A_388 = arith.constant 0 : i32
        %parallel_loop3A_389 = arith.index_cast %parallel_loop3A_388 : i32 to index
        %parallel_loop3A_390 = arith.index_cast %parallel_loop3A_347 : i32 to index
        %parallel_loop3A_391 = arith.constant 32 : index
        %parallel_loop3A_392 = tpu.vector_load %arg8[%parallel_loop3A_389, %parallel_loop3A_390, %parallel_loop3A_391] {strides = array<i32>} : memref<4x200x64xf32, #tpu.memory_space<vmem>>, vector<1x1x16xf32>,
        %parallel_loop3A_393 = vector.shape_cast %parallel_loop3A_392 : vector<1x1x16xf32> to vector<16xf32>
        %parallel_loop3A_394 = vector.broadcast %scan3A : f32 to vector<16xf32>
        %parallel_loop3A_395 = arith.mulf %parallel_loop3A_393, %parallel_loop3A_394 : vector<16xf32>
        %parallel_loop3A_396 = arith.index_cast %parallel_loop3A_347 : i32 to index
        %parallel_loop3A_397 = arith.constant 32 : index
        %parallel_loop3A_398 = tpu.vector_load %arg7[%parallel_loop3A_396, %parallel_loop3A_397] {strides = array<i32>} : memref<200x64xf32, #tpu.memory_space<vmem>>, vector<1x16xf32>,
        %parallel_loop3A_399 = vector.shape_cast %parallel_loop3A_398 : vector<1x16xf32> to vector<16xf32>
        %parallel_loop3A_400 = arith.addf %parallel_loop3A_395, %parallel_loop3A_399 : vector<16xf32>
        %parallel_loop3A_401 = arith.constant 0 : i32
        %parallel_loop3A_402 = arith.index_cast %parallel_loop3A_401 : i32 to index
        %parallel_loop3A_403 = arith.index_cast %parallel_loop3A_347 : i32 to index
        %parallel_loop3A_404 = arith.constant 32 : index
        %parallel_loop3A_405 = tpu.vector_load %arg8[%parallel_loop3A_402, %parallel_loop3A_403, %parallel_loop3A_404] {strides = array<i32>} : memref<4x200x64xf32, #tpu.memory_space<vmem>>, vector<1x1x16xf32>,
        %parallel_loop3A_406 = vector.shape_cast %parallel_loop3A_405 : vector<1x1x16xf32> to vector<16xf32>
        %parallel_loop3A_407 = vector.shape_cast %parallel_loop3A_400 : vector<16xf32> to vector<1x1x16xf32>
        tpu.vector_store %arg8[%parallel_loop3A_402, %parallel_loop3A_403, %parallel_loop3A_404], %parallel_loop3A_407 {strides = array<i32>} : memref<4x200x64xf32, #tpu.memory_space<vmem>>, vector<1x1x16xf32>,
        %parallel_loop3A_408 = arith.constant 0 : i32
        %parallel_loop3A_409 = arith.index_cast %parallel_loop3A_408 : i32 to index
        %parallel_loop3A_410 = arith.index_cast %parallel_loop3A_347 : i32 to index
        %parallel_loop3A_411 = arith.constant 48 : index
        %parallel_loop3A_412 = tpu.vector_load %arg8[%parallel_loop3A_409, %parallel_loop3A_410, %parallel_loop3A_411] {strides = array<i32>} : memref<4x200x64xf32, #tpu.memory_space<vmem>>, vector<1x1x16xf32>,
        %parallel_loop3A_413 = vector.shape_cast %parallel_loop3A_412 : vector<1x1x16xf32> to vector<16xf32>
        %parallel_loop3A_414 = vector.broadcast %scan3A : f32 to vector<16xf32>
        %parallel_loop3A_415 = arith.mulf %parallel_loop3A_413, %parallel_loop3A_414 : vector<16xf32>
        %parallel_loop3A_416 = arith.index_cast %parallel_loop3A_347 : i32 to index
        %parallel_loop3A_417 = arith.constant 48 : index
        %parallel_loop3A_418 = tpu.vector_load %arg7[%parallel_loop3A_416, %parallel_loop3A_417] {strides = array<i32>} : memref<200x64xf32, #tpu.memory_space<vmem>>, vector<1x16xf32>,
        %parallel_loop3A_419 = vector.shape_cast %parallel_loop3A_418 : vector<1x16xf32> to vector<16xf32>
        %parallel_loop3A_420 = arith.addf %parallel_loop3A_415, %parallel_loop3A_419 : vector<16xf32>
        %parallel_loop3A_421 = arith.constant 0 : i32
        %parallel_loop3A_422 = arith.index_cast %parallel_loop3A_421 : i32 to index
        %parallel_loop3A_423 = arith.index_cast %parallel_loop3A_347 : i32 to index
        %parallel_loop3A_424 = arith.constant 48 : index
        %parallel_loop3A_425 = tpu.vector_load %arg8[%parallel_loop3A_422, %parallel_loop3A_423, %parallel_loop3A_424] {strides = array<i32>} : memref<4x200x64xf32, #tpu.memory_space<vmem>>, vector<1x1x16xf32>,
        %parallel_loop3A_426 = vector.shape_cast %parallel_loop3A_425 : vector<1x1x16xf32> to vector<16xf32>
        %parallel_loop3A_427 = vector.shape_cast %parallel_loop3A_420 : vector<16xf32> to vector<1x1x16xf32>
        tpu.vector_store %arg8[%parallel_loop3A_422, %parallel_loop3A_423, %parallel_loop3A_424], %parallel_loop3A_427 {strides = array<i32>} : memref<4x200x64xf32, #tpu.memory_space<vmem>>, vector<1x1x16xf32>,
      } {sc.loop_unroll_factor = 4 : i64, sc.parallel_access}
      %add3A_166 = arith.addi %mul3A_2, %add3A_137 : i32
      %dma_start3A_167 = arith.constant 0 : i32
      %dma_start3A_168 = arith.constant 0 : i32
      %dma_start3A_169 = arith.constant 0 : i32
      %dma_start3A_170 = tpu.memref_slice %arg8[%dma_start3A_167, %dma_start3A_168, %dma_start3A_169] : memref<4x200x64xf32, #tpu.memory_space<vmem>> -> memref<1x200x64xf32, #tpu.memory_space<vmem>>
      %dma_start3A_171 = tpu.memref_squeeze %dma_start3A_170 : memref<1x200x64xf32, #tpu.memory_space<vmem>> -> memref<200x64xf32, #tpu.memory_space<vmem>>
      %dma_start3A_172 = arith.constant 0 : i32
      %dma_start3A_173 = arith.constant 0 : i32
      %dma_start3A_174 = tpu.memref_slice %arg5[%add3A_166, %dma_start3A_172, %dma_start3A_173] : memref<4096x200x64xf32, #tpu.memory_space<hbm>> -> memref<1x200x64xf32, #tpu.memory_space<hbm>>
      %dma_start3A_175 = tpu.memref_squeeze %dma_start3A_174 : memref<1x200x64xf32, #tpu.memory_space<hbm>> -> memref<200x64xf32, #tpu.memory_space<hbm>>
      %dma_start3A_176 = arith.constant 0 : i32
      %dma_start3A_177 = arith.constant 0 : i32
      %dma_start3A_178 = tpu.memref_slice %arg5[%add3A_166, %dma_start3A_176, %dma_start3A_177] : memref<4096x200x64xf32, #tpu.memory_space<hbm>> -> memref<1x200x64xf32, #tpu.memory_space<hbm>>
      %dma_start3A_179 = tpu.memref_squeeze %dma_start3A_178 : memref<1x200x64xf32, #tpu.memory_space<hbm>> -> memref<200x64xf32, #tpu.memory_space<hbm>>
      %dma_start3A_180 = arith.constant 0 : i32
      %dma_start3A_181 = arith.constant 0 : i32
      %dma_start3A_182 = tpu.memref_slice %arg8[%dma_start3A_167, %dma_start3A_180, %dma_start3A_181] : memref<4x200x64xf32, #tpu.memory_space<vmem>> -> memref<1x200x64xf32, #tpu.memory_space<vmem>>
      %dma_start3A_183 = tpu.memref_squeeze %dma_start3A_182 : memref<1x200x64xf32, #tpu.memory_space<vmem>> -> memref<200x64xf32, #tpu.memory_space<vmem>>
      tpu.enqueue_dma source(%dma_start3A_183 : memref<200x64xf32, #tpu.memory_space<vmem>>) target(%dma_start3A_179 : memref<200x64xf32, #tpu.memory_space<hbm>>) target_semaphore(%arg13 : memref<!tpu.dma_semaphore, #tpu.memory_space<semaphore_mem>>)
      %mul3A_184 = arith.constant 4 : i32
      %mul3A_185 = arith.muli %scan3A_132, %mul3A_184 : i32
      %add3A_186 = arith.constant 1 : i32
      %add3A_187 = arith.addi %mul3A_185, %add3A_186 : i32
      %add3A_188 = arith.constant 2 : i32
      %add3A_189 = arith.addi %add3A_187, %add3A_188 : i32
      %lt3A_190 = arith.constant 128 : i32
      %lt3A_191 = arith.cmpi slt, %add3A_189, %lt3A_190 : i32
      %convert_element_type3A_192 = arith.extui %lt3A_191 : i1 to i32
      %cond3A_193 = arith.constant 0 : i32
      %cond3A_194 = arith.cmpi ne, %convert_element_type3A_192, %cond3A_193 : i32
      scf.if %cond3A_194 {
        %ge3A = arith.constant 2 : i32
        %ge3A_347 = arith.cmpi sge, %add3A_187, %ge3A : i32
        %convert_element_type3A_348 = arith.extui %ge3A_347 : i1 to i32
        %cond3A_349 = arith.constant 0 : i32
        %cond3A_350 = arith.cmpi ne, %convert_element_type3A_348, %cond3A_349 : i32
        scf.if %cond3A_350 {
          %add3A_375 = arith.constant 2 : i32
          %add3A_376 = arith.addi %add3A_187, %add3A_375 : i32
          %sub3A = arith.constant 4 : i32
          %sub3A_377 = arith.subi %add3A_376, %sub3A : i32
          %add3A_378 = arith.addi %mul3A_2, %sub3A_377 : i32
          %dma_wait3A_379 = arith.constant 3 : i32
          %dma_wait3A_380 = arith.constant 0 : i32
          %dma_wait3A_381 = arith.constant 0 : i32
          %dma_wait3A_382 = tpu.memref_slice %arg8[%dma_wait3A_379, %dma_wait3A_380, %dma_wait3A_381] : memref<4x200x64xf32, #tpu.memory_space<vmem>> -> memref<1x200x64xf32, #tpu.memory_space<vmem>>
          %dma_wait3A_383 = tpu.memref_squeeze %dma_wait3A_382 : memref<1x200x64xf32, #tpu.memory_space<vmem>> -> memref<200x64xf32, #tpu.memory_space<vmem>>
          %dma_wait3A_384 = arith.constant 0 : i32
          %dma_wait3A_385 = arith.constant 0 : i32
          %dma_wait3A_386 = tpu.memref_slice %arg5[%add3A_378, %dma_wait3A_384, %dma_wait3A_385] : memref<4096x200x64xf32, #tpu.memory_space<hbm>> -> memref<1x200x64xf32, #tpu.memory_space<hbm>>
          %dma_wait3A_387 = tpu.memref_squeeze %dma_wait3A_386 : memref<1x200x64xf32, #tpu.memory_space<hbm>> -> memref<200x64xf32, #tpu.memory_space<hbm>>
          %dma_wait3A_388 = arith.constant 0 : i32
          %dma_wait3A_389 = arith.constant 0 : i32
          %dma_wait3A_390 = tpu.memref_slice %arg5[%add3A_378, %dma_wait3A_388, %dma_wait3A_389] : memref<4096x200x64xf32, #tpu.memory_space<hbm>> -> memref<1x200x64xf32, #tpu.memory_space<hbm>>
          %dma_wait3A_391 = tpu.memref_squeeze %dma_wait3A_390 : memref<1x200x64xf32, #tpu.memory_space<hbm>> -> memref<200x64xf32, #tpu.memory_space<hbm>>
          %dma_wait3A_392 = arith.constant 0 : i32
          %dma_wait3A_393 = arith.constant 0 : i32
          %dma_wait3A_394 = tpu.memref_slice %arg8[%dma_wait3A_379, %dma_wait3A_392, %dma_wait3A_393] : memref<4x200x64xf32, #tpu.memory_space<vmem>> -> memref<1x200x64xf32, #tpu.memory_space<vmem>>
          %dma_wait3A_395 = tpu.memref_squeeze %dma_wait3A_394 : memref<1x200x64xf32, #tpu.memory_space<vmem>> -> memref<200x64xf32, #tpu.memory_space<vmem>>
          tpu.wait_dma2 semaphore(%arg16 : memref<!tpu.dma_semaphore, #tpu.memory_space<semaphore_mem>>) src(%dma_wait3A_395 : memref<200x64xf32, #tpu.memory_space<vmem>>) dst(%dma_wait3A_391 : memref<200x64xf32, #tpu.memory_space<hbm>>)
        } else {
        }
        %add3A_351 = arith.constant 2 : i32
        %add3A_352 = arith.addi %add3A_187, %add3A_351 : i32
        %dma_start3A_353 = arith.constant 3 : i32
        %dma_start3A_354 = arith.constant 0 : i32
        %dma_start3A_355 = arith.constant 0 : i32
        %dma_start3A_356 = tpu.memref_slice %arg8[%dma_start3A_353, %dma_start3A_354, %dma_start3A_355] : memref<4x200x64xf32, #tpu.memory_space<vmem>> -> memref<1x128x64xf32, #tpu.memory_space<vmem>>
        %dma_start3A_357 = tpu.memref_squeeze %dma_start3A_356 : memref<1x128x64xf32, #tpu.memory_space<vmem>> -> memref<128x64xf32, #tpu.memory_space<vmem>>
        %dma_start3A_358 = arith.constant 0 : i32
        %dma_start3A_359 = tpu.memref_slice %arg6[%add3A_352, %dma_start3A_358] : memref<128x200xi32, #tpu.memory_space<vmem>> -> memref<1x128xi32, #tpu.memory_space<vmem>>
        %dma_start3A_360 = tpu.memref_squeeze %dma_start3A_359 : memref<1x128xi32, #tpu.memory_space<vmem>> -> memref<128xi32, #tpu.memory_space<vmem>>
        %dma_start3A_361 = arith.constant 0 : i32
        %dma_start3A_362 = arith.constant 0 : i32
        %dma_start3A_363 = tpu.memref_slice %arg2[%dma_start3A_361, %dma_start3A_362] : memref<100000x64xf32, #tpu.memory_space<hbm>> -> memref<100000x64xf32, #tpu.memory_space<hbm>>
        tpu.enqueue_indirect_dma source(%dma_start3A_363 : memref<100000x64xf32, #tpu.memory_space<hbm>>) target(%dma_start3A_357 : memref<128x64xf32, #tpu.memory_space<vmem>>) offsets(%dma_start3A_360 : memref<128xi32, #tpu.memory_space<vmem>>) semaphore(%arg12 : memref<!tpu.dma_semaphore, #tpu.memory_space<semaphore_mem>>)
        %dma_start3A_364 = arith.constant 3 : i32
        %dma_start3A_365 = arith.constant 128 : i32
        %dma_start3A_366 = arith.constant 0 : i32
        %dma_start3A_367 = tpu.memref_slice %arg8[%dma_start3A_364, %dma_start3A_365, %dma_start3A_366] : memref<4x200x64xf32, #tpu.memory_space<vmem>> -> memref<1x72x64xf32, #tpu.memory_space<vmem>>
        %dma_start3A_368 = tpu.memref_squeeze %dma_start3A_367 : memref<1x72x64xf32, #tpu.memory_space<vmem>> -> memref<72x64xf32, #tpu.memory_space<vmem>>
        %dma_start3A_369 = arith.constant 128 : i32
        %dma_start3A_370 = tpu.memref_slice %arg6[%add3A_352, %dma_start3A_369] : memref<128x200xi32, #tpu.memory_space<vmem>> -> memref<1x72xi32, #tpu.memory_space<vmem>>
        %dma_start3A_371 = tpu.memref_squeeze %dma_start3A_370 : memref<1x72xi32, #tpu.memory_space<vmem>> -> memref<72xi32, #tpu.memory_space<vmem>>
        %dma_start3A_372 = arith.constant 0 : i32
        %dma_start3A_373 = arith.constant 0 : i32
        %dma_start3A_374 = tpu.memref_slice %arg2[%dma_start3A_372, %dma_start3A_373] : memref<100000x64xf32, #tpu.memory_space<hbm>> -> memref<100000x64xf32, #tpu.memory_space<hbm>>
        tpu.enqueue_indirect_dma source(%dma_start3A_374 : memref<100000x64xf32, #tpu.memory_space<hbm>>) target(%dma_start3A_368 : memref<72x64xf32, #tpu.memory_space<vmem>>) offsets(%dma_start3A_371 : memref<72xi32, #tpu.memory_space<vmem>>) semaphore(%arg12 : memref<!tpu.dma_semaphore, #tpu.memory_space<semaphore_mem>>)
      } else {
      }
      %dma_wait3A_195 = arith.constant 1 : i32
      %dma_wait3A_196 = arith.constant 0 : i32
      %dma_wait3A_197 = arith.constant 0 : i32
      %dma_wait3A_198 = tpu.memref_slice %arg8[%dma_wait3A_195, %dma_wait3A_196, %dma_wait3A_197] : memref<4x200x64xf32, #tpu.memory_space<vmem>> -> memref<1x128x64xf32, #tpu.memory_space<vmem>>
      %dma_wait3A_199 = tpu.memref_squeeze %dma_wait3A_198 : memref<1x128x64xf32, #tpu.memory_space<vmem>> -> memref<128x64xf32, #tpu.memory_space<vmem>>
      %dma_wait3A_200 = arith.constant 0 : i32
      %dma_wait3A_201 = tpu.memref_slice %arg6[%add3A_187, %dma_wait3A_200] : memref<128x200xi32, #tpu.memory_space<vmem>> -> memref<1x128xi32, #tpu.memory_space<vmem>>
      %dma_wait3A_202 = tpu.memref_squeeze %dma_wait3A_201 : memref<1x128xi32, #tpu.memory_space<vmem>> -> memref<128xi32, #tpu.memory_space<vmem>>
      %dma_wait3A_203 = arith.constant 0 : i32
      %dma_wait3A_204 = arith.constant 0 : i32
      %dma_wait3A_205 = tpu.memref_slice %arg2[%dma_wait3A_203, %dma_wait3A_204] : memref<100000x64xf32, #tpu.memory_space<hbm>> -> memref<100000x64xf32, #tpu.memory_space<hbm>>
      tpu.wait_indirect_dma semaphore(%arg10 : memref<!tpu.dma_semaphore, #tpu.memory_space<semaphore_mem>>) src(%dma_wait3A_205 : memref<100000x64xf32, #tpu.memory_space<hbm>>) dst(%dma_wait3A_199 : memref<128x64xf32, #tpu.memory_space<vmem>>)
      %dma_wait3A_206 = arith.constant 1 : i32
      %dma_wait3A_207 = arith.constant 128 : i32
      %dma_wait3A_208 = arith.constant 0 : i32
      %dma_wait3A_209 = tpu.memref_slice %arg8[%dma_wait3A_206, %dma_wait3A_207, %dma_wait3A_208] : memref<4x200x64xf32, #tpu.memory_space<vmem>> -> memref<1x72x64xf32, #tpu.memory_space<vmem>>
      %dma_wait3A_210 = tpu.memref_squeeze %dma_wait3A_209 : memref<1x72x64xf32, #tpu.memory_space<vmem>> -> memref<72x64xf32, #tpu.memory_space<vmem>>
      %dma_wait3A_211 = arith.constant 128 : i32
      %dma_wait3A_212 = tpu.memref_slice %arg6[%add3A_187, %dma_wait3A_211] : memref<128x200xi32, #tpu.memory_space<vmem>> -> memref<1x72xi32, #tpu.memory_space<vmem>>
      %dma_wait3A_213 = tpu.memref_squeeze %dma_wait3A_212 : memref<1x72xi32, #tpu.memory_space<vmem>> -> memref<72xi32, #tpu.memory_space<vmem>>
      %dma_wait3A_214 = arith.constant 0 : i32
      %dma_wait3A_215 = arith.constant 0 : i32
      %dma_wait3A_216 = tpu.memref_slice %arg2[%dma_wait3A_214, %dma_wait3A_215] : memref<100000x64xf32, #tpu.memory_space<hbm>> -> memref<100000x64xf32, #tpu.memory_space<hbm>>
      tpu.wait_indirect_dma semaphore(%arg10 : memref<!tpu.dma_semaphore, #tpu.memory_space<semaphore_mem>>) src(%dma_wait3A_216 : memref<100000x64xf32, #tpu.memory_space<hbm>>) dst(%dma_wait3A_210 : memref<72x64xf32, #tpu.memory_space<vmem>>)
      %parallel_loop3A_217 = arith.constant 0 : i32
      %parallel_loop3A_218 = arith.constant 200 : i32
      %parallel_loop3A_219 = arith.constant 1 : i32
      scf.for %parallel_loop3A_347 = %parallel_loop3A_217 to %parallel_loop3A_218 step %parallel_loop3A_219  : i32 {
        %parallel_loop3A_348 = arith.constant 1 : i32
        %parallel_loop3A_349 = arith.index_cast %parallel_loop3A_348 : i32 to index
        %parallel_loop3A_350 = arith.index_cast %parallel_loop3A_347 : i32 to index
        %parallel_loop3A_351 = arith.constant 0 : index
        %parallel_loop3A_352 = tpu.vector_load %arg8[%parallel_loop3A_349, %parallel_loop3A_350, %parallel_loop3A_351] {strides = array<i32>} : memref<4x200x64xf32, #tpu.memory_space<vmem>>, vector<1x1x16xf32>,
        %parallel_loop3A_353 = vector.shape_cast %parallel_loop3A_352 : vector<1x1x16xf32> to vector<16xf32>
        %parallel_loop3A_354 = vector.broadcast %scan3A : f32 to vector<16xf32>
        %parallel_loop3A_355 = arith.mulf %parallel_loop3A_353, %parallel_loop3A_354 : vector<16xf32>
        %parallel_loop3A_356 = arith.index_cast %parallel_loop3A_347 : i32 to index
        %parallel_loop3A_357 = arith.constant 0 : index
        %parallel_loop3A_358 = tpu.vector_load %arg7[%parallel_loop3A_356, %parallel_loop3A_357] {strides = array<i32>} : memref<200x64xf32, #tpu.memory_space<vmem>>, vector<1x16xf32>,
        %parallel_loop3A_359 = vector.shape_cast %parallel_loop3A_358 : vector<1x16xf32> to vector<16xf32>
        %parallel_loop3A_360 = arith.addf %parallel_loop3A_355, %parallel_loop3A_359 : vector<16xf32>
        %parallel_loop3A_361 = arith.constant 1 : i32
        %parallel_loop3A_362 = arith.index_cast %parallel_loop3A_361 : i32 to index
        %parallel_loop3A_363 = arith.index_cast %parallel_loop3A_347 : i32 to index
        %parallel_loop3A_364 = arith.constant 0 : index
        %parallel_loop3A_365 = tpu.vector_load %arg8[%parallel_loop3A_362, %parallel_loop3A_363, %parallel_loop3A_364] {strides = array<i32>} : memref<4x200x64xf32, #tpu.memory_space<vmem>>, vector<1x1x16xf32>,
        %parallel_loop3A_366 = vector.shape_cast %parallel_loop3A_365 : vector<1x1x16xf32> to vector<16xf32>
        %parallel_loop3A_367 = vector.shape_cast %parallel_loop3A_360 : vector<16xf32> to vector<1x1x16xf32>
        tpu.vector_store %arg8[%parallel_loop3A_362, %parallel_loop3A_363, %parallel_loop3A_364], %parallel_loop3A_367 {strides = array<i32>} : memref<4x200x64xf32, #tpu.memory_space<vmem>>, vector<1x1x16xf32>,
        %parallel_loop3A_368 = arith.constant 1 : i32
        %parallel_loop3A_369 = arith.index_cast %parallel_loop3A_368 : i32 to index
        %parallel_loop3A_370 = arith.index_cast %parallel_loop3A_347 : i32 to index
        %parallel_loop3A_371 = arith.constant 16 : index
        %parallel_loop3A_372 = tpu.vector_load %arg8[%parallel_loop3A_369, %parallel_loop3A_370, %parallel_loop3A_371] {strides = array<i32>} : memref<4x200x64xf32, #tpu.memory_space<vmem>>, vector<1x1x16xf32>,
        %parallel_loop3A_373 = vector.shape_cast %parallel_loop3A_372 : vector<1x1x16xf32> to vector<16xf32>
        %parallel_loop3A_374 = vector.broadcast %scan3A : f32 to vector<16xf32>
        %parallel_loop3A_375 = arith.mulf %parallel_loop3A_373, %parallel_loop3A_374 : vector<16xf32>
        %parallel_loop3A_376 = arith.index_cast %parallel_loop3A_347 : i32 to index
        %parallel_loop3A_377 = arith.constant 16 : index
        %parallel_loop3A_378 = tpu.vector_load %arg7[%parallel_loop3A_376, %parallel_loop3A_377] {strides = array<i32>} : memref<200x64xf32, #tpu.memory_space<vmem>>, vector<1x16xf32>,
        %parallel_loop3A_379 = vector.shape_cast %parallel_loop3A_378 : vector<1x16xf32> to vector<16xf32>
        %parallel_loop3A_380 = arith.addf %parallel_loop3A_375, %parallel_loop3A_379 : vector<16xf32>
        %parallel_loop3A_381 = arith.constant 1 : i32
        %parallel_loop3A_382 = arith.index_cast %parallel_loop3A_381 : i32 to index
        %parallel_loop3A_383 = arith.index_cast %parallel_loop3A_347 : i32 to index
        %parallel_loop3A_384 = arith.constant 16 : index
        %parallel_loop3A_385 = tpu.vector_load %arg8[%parallel_loop3A_382, %parallel_loop3A_383, %parallel_loop3A_384] {strides = array<i32>} : memref<4x200x64xf32, #tpu.memory_space<vmem>>, vector<1x1x16xf32>,
        %parallel_loop3A_386 = vector.shape_cast %parallel_loop3A_385 : vector<1x1x16xf32> to vector<16xf32>
        %parallel_loop3A_387 = vector.shape_cast %parallel_loop3A_380 : vector<16xf32> to vector<1x1x16xf32>
        tpu.vector_store %arg8[%parallel_loop3A_382, %parallel_loop3A_383, %parallel_loop3A_384], %parallel_loop3A_387 {strides = array<i32>} : memref<4x200x64xf32, #tpu.memory_space<vmem>>, vector<1x1x16xf32>,
        %parallel_loop3A_388 = arith.constant 1 : i32
        %parallel_loop3A_389 = arith.index_cast %parallel_loop3A_388 : i32 to index
        %parallel_loop3A_390 = arith.index_cast %parallel_loop3A_347 : i32 to index
        %parallel_loop3A_391 = arith.constant 32 : index
        %parallel_loop3A_392 = tpu.vector_load %arg8[%parallel_loop3A_389, %parallel_loop3A_390, %parallel_loop3A_391] {strides = array<i32>} : memref<4x200x64xf32, #tpu.memory_space<vmem>>, vector<1x1x16xf32>,
        %parallel_loop3A_393 = vector.shape_cast %parallel_loop3A_392 : vector<1x1x16xf32> to vector<16xf32>
        %parallel_loop3A_394 = vector.broadcast %scan3A : f32 to vector<16xf32>
        %parallel_loop3A_395 = arith.mulf %parallel_loop3A_393, %parallel_loop3A_394 : vector<16xf32>
        %parallel_loop3A_396 = arith.index_cast %parallel_loop3A_347 : i32 to index
        %parallel_loop3A_397 = arith.constant 32 : index
        %parallel_loop3A_398 = tpu.vector_load %arg7[%parallel_loop3A_396, %parallel_loop3A_397] {strides = array<i32>} : memref<200x64xf32, #tpu.memory_space<vmem>>, vector<1x16xf32>,
        %parallel_loop3A_399 = vector.shape_cast %parallel_loop3A_398 : vector<1x16xf32> to vector<16xf32>
        %parallel_loop3A_400 = arith.addf %parallel_loop3A_395, %parallel_loop3A_399 : vector<16xf32>
        %parallel_loop3A_401 = arith.constant 1 : i32
        %parallel_loop3A_402 = arith.index_cast %parallel_loop3A_401 : i32 to index
        %parallel_loop3A_403 = arith.index_cast %parallel_loop3A_347 : i32 to index
        %parallel_loop3A_404 = arith.constant 32 : index
        %parallel_loop3A_405 = tpu.vector_load %arg8[%parallel_loop3A_402, %parallel_loop3A_403, %parallel_loop3A_404] {strides = array<i32>} : memref<4x200x64xf32, #tpu.memory_space<vmem>>, vector<1x1x16xf32>,
        %parallel_loop3A_406 = vector.shape_cast %parallel_loop3A_405 : vector<1x1x16xf32> to vector<16xf32>
        %parallel_loop3A_407 = vector.shape_cast %parallel_loop3A_400 : vector<16xf32> to vector<1x1x16xf32>
        tpu.vector_store %arg8[%parallel_loop3A_402, %parallel_loop3A_403, %parallel_loop3A_404], %parallel_loop3A_407 {strides = array<i32>} : memref<4x200x64xf32, #tpu.memory_space<vmem>>, vector<1x1x16xf32>,
        %parallel_loop3A_408 = arith.constant 1 : i32
        %parallel_loop3A_409 = arith.index_cast %parallel_loop3A_408 : i32 to index
        %parallel_loop3A_410 = arith.index_cast %parallel_loop3A_347 : i32 to index
        %parallel_loop3A_411 = arith.constant 48 : index
        %parallel_loop3A_412 = tpu.vector_load %arg8[%parallel_loop3A_409, %parallel_loop3A_410, %parallel_loop3A_411] {strides = array<i32>} : memref<4x200x64xf32, #tpu.memory_space<vmem>>, vector<1x1x16xf32>,
        %parallel_loop3A_413 = vector.shape_cast %parallel_loop3A_412 : vector<1x1x16xf32> to vector<16xf32>
        %parallel_loop3A_414 = vector.broadcast %scan3A : f32 to vector<16xf32>
        %parallel_loop3A_415 = arith.mulf %parallel_loop3A_413, %parallel_loop3A_414 : vector<16xf32>
        %parallel_loop3A_416 = arith.index_cast %parallel_loop3A_347 : i32 to index
        %parallel_loop3A_417 = arith.constant 48 : index
        %parallel_loop3A_418 = tpu.vector_load %arg7[%parallel_loop3A_416, %parallel_loop3A_417] {strides = array<i32>} : memref<200x64xf32, #tpu.memory_space<vmem>>, vector<1x16xf32>,
        %parallel_loop3A_419 = vector.shape_cast %parallel_loop3A_418 : vector<1x16xf32> to vector<16xf32>
        %parallel_loop3A_420 = arith.addf %parallel_loop3A_415, %parallel_loop3A_419 : vector<16xf32>
        %parallel_loop3A_421 = arith.constant 1 : i32
        %parallel_loop3A_422 = arith.index_cast %parallel_loop3A_421 : i32 to index
        %parallel_loop3A_423 = arith.index_cast %parallel_loop3A_347 : i32 to index
        %parallel_loop3A_424 = arith.constant 48 : index
        %parallel_loop3A_425 = tpu.vector_load %arg8[%parallel_loop3A_422, %parallel_loop3A_423, %parallel_loop3A_424] {strides = array<i32>} : memref<4x200x64xf32, #tpu.memory_space<vmem>>, vector<1x1x16xf32>,
        %parallel_loop3A_426 = vector.shape_cast %parallel_loop3A_425 : vector<1x1x16xf32> to vector<16xf32>
        %parallel_loop3A_427 = vector.shape_cast %parallel_loop3A_420 : vector<16xf32> to vector<1x1x16xf32>
        tpu.vector_store %arg8[%parallel_loop3A_422, %parallel_loop3A_423, %parallel_loop3A_424], %parallel_loop3A_427 {strides = array<i32>} : memref<4x200x64xf32, #tpu.memory_space<vmem>>, vector<1x1x16xf32>,
      } {sc.loop_unroll_factor = 4 : i64, sc.parallel_access}
      %add3A_220 = arith.addi %mul3A_2, %add3A_187 : i32
      %dma_start3A_221 = arith.constant 1 : i32
      %dma_start3A_222 = arith.constant 0 : i32
      %dma_start3A_223 = arith.constant 0 : i32
      %dma_start3A_224 = tpu.memref_slice %arg8[%dma_start3A_221, %dma_start3A_222, %dma_start3A_223] : memref<4x200x64xf32, #tpu.memory_space<vmem>> -> memref<1x200x64xf32, #tpu.memory_space<vmem>>
      %dma_start3A_225 = tpu.memref_squeeze %dma_start3A_224 : memref<1x200x64xf32, #tpu.memory_space<vmem>> -> memref<200x64xf32, #tpu.memory_space<vmem>>
      %dma_start3A_226 = arith.constant 0 : i32
      %dma_start3A_227 = arith.constant 0 : i32
      %dma_start3A_228 = tpu.memref_slice %arg5[%add3A_220, %dma_start3A_226, %dma_start3A_227] : memref<4096x200x64xf32, #tpu.memory_space<hbm>> -> memref<1x200x64xf32, #tpu.memory_space<hbm>>
      %dma_start3A_229 = tpu.memref_squeeze %dma_start3A_228 : memref<1x200x64xf32, #tpu.memory_space<hbm>> -> memref<200x64xf32, #tpu.memory_space<hbm>>
      %dma_start3A_230 = arith.constant 0 : i32
      %dma_start3A_231 = arith.constant 0 : i32
      %dma_start3A_232 = tpu.memref_slice %arg5[%add3A_220, %dma_start3A_230, %dma_start3A_231] : memref<4096x200x64xf32, #tpu.memory_space<hbm>> -> memref<1x200x64xf32, #tpu.memory_space<hbm>>
      %dma_start3A_233 = tpu.memref_squeeze %dma_start3A_232 : memref<1x200x64xf32, #tpu.memory_space<hbm>> -> memref<200x64xf32, #tpu.memory_space<hbm>>
      %dma_start3A_234 = arith.constant 0 : i32
      %dma_start3A_235 = arith.constant 0 : i32
      %dma_start3A_236 = tpu.memref_slice %arg8[%dma_start3A_221, %dma_start3A_234, %dma_start3A_235] : memref<4x200x64xf32, #tpu.memory_space<vmem>> -> memref<1x200x64xf32, #tpu.memory_space<vmem>>
      %dma_start3A_237 = tpu.memref_squeeze %dma_start3A_236 : memref<1x200x64xf32, #tpu.memory_space<vmem>> -> memref<200x64xf32, #tpu.memory_space<vmem>>
      tpu.enqueue_dma source(%dma_start3A_237 : memref<200x64xf32, #tpu.memory_space<vmem>>) target(%dma_start3A_233 : memref<200x64xf32, #tpu.memory_space<hbm>>) target_semaphore(%arg14 : memref<!tpu.dma_semaphore, #tpu.memory_space<semaphore_mem>>)
      %mul3A_238 = arith.constant 4 : i32
      %mul3A_239 = arith.muli %scan3A_132, %mul3A_238 : i32
      %add3A_240 = arith.constant 2 : i32
      %add3A_241 = arith.addi %mul3A_239, %add3A_240 : i32
      %add3A_242 = arith.constant 2 : i32
      %add3A_243 = arith.addi %add3A_241, %add3A_242 : i32
      %lt3A_244 = arith.constant 128 : i32
      %lt3A_245 = arith.cmpi slt, %add3A_243, %lt3A_244 : i32
      %convert_element_type3A_246 = arith.extui %lt3A_245 : i1 to i32
      %cond3A_247 = arith.constant 0 : i32
      %cond3A_248 = arith.cmpi ne, %convert_element_type3A_246, %cond3A_247 : i32
      scf.if %cond3A_248 {
        %ge3A = arith.constant 2 : i32
        %ge3A_347 = arith.cmpi sge, %add3A_241, %ge3A : i32
        %convert_element_type3A_348 = arith.extui %ge3A_347 : i1 to i32
        %cond3A_349 = arith.constant 0 : i32
        %cond3A_350 = arith.cmpi ne, %convert_element_type3A_348, %cond3A_349 : i32
        scf.if %cond3A_350 {
          %add3A_375 = arith.constant 2 : i32
          %add3A_376 = arith.addi %add3A_241, %add3A_375 : i32
          %sub3A = arith.constant 4 : i32
          %sub3A_377 = arith.subi %add3A_376, %sub3A : i32
          %add3A_378 = arith.addi %mul3A_2, %sub3A_377 : i32
          %dma_wait3A_379 = arith.constant 0 : i32
          %dma_wait3A_380 = arith.constant 0 : i32
          %dma_wait3A_381 = arith.constant 0 : i32
          %dma_wait3A_382 = tpu.memref_slice %arg8[%dma_wait3A_379, %dma_wait3A_380, %dma_wait3A_381] : memref<4x200x64xf32, #tpu.memory_space<vmem>> -> memref<1x200x64xf32, #tpu.memory_space<vmem>>
          %dma_wait3A_383 = tpu.memref_squeeze %dma_wait3A_382 : memref<1x200x64xf32, #tpu.memory_space<vmem>> -> memref<200x64xf32, #tpu.memory_space<vmem>>
          %dma_wait3A_384 = arith.constant 0 : i32
          %dma_wait3A_385 = arith.constant 0 : i32
          %dma_wait3A_386 = tpu.memref_slice %arg5[%add3A_378, %dma_wait3A_384, %dma_wait3A_385] : memref<4096x200x64xf32, #tpu.memory_space<hbm>> -> memref<1x200x64xf32, #tpu.memory_space<hbm>>
          %dma_wait3A_387 = tpu.memref_squeeze %dma_wait3A_386 : memref<1x200x64xf32, #tpu.memory_space<hbm>> -> memref<200x64xf32, #tpu.memory_space<hbm>>
          %dma_wait3A_388 = arith.constant 0 : i32
          %dma_wait3A_389 = arith.constant 0 : i32
          %dma_wait3A_390 = tpu.memref_slice %arg5[%add3A_378, %dma_wait3A_388, %dma_wait3A_389] : memref<4096x200x64xf32, #tpu.memory_space<hbm>> -> memref<1x200x64xf32, #tpu.memory_space<hbm>>
          %dma_wait3A_391 = tpu.memref_squeeze %dma_wait3A_390 : memref<1x200x64xf32, #tpu.memory_space<hbm>> -> memref<200x64xf32, #tpu.memory_space<hbm>>
          %dma_wait3A_392 = arith.constant 0 : i32
          %dma_wait3A_393 = arith.constant 0 : i32
          %dma_wait3A_394 = tpu.memref_slice %arg8[%dma_wait3A_379, %dma_wait3A_392, %dma_wait3A_393] : memref<4x200x64xf32, #tpu.memory_space<vmem>> -> memref<1x200x64xf32, #tpu.memory_space<vmem>>
          %dma_wait3A_395 = tpu.memref_squeeze %dma_wait3A_394 : memref<1x200x64xf32, #tpu.memory_space<vmem>> -> memref<200x64xf32, #tpu.memory_space<vmem>>
          tpu.wait_dma2 semaphore(%arg13 : memref<!tpu.dma_semaphore, #tpu.memory_space<semaphore_mem>>) src(%dma_wait3A_395 : memref<200x64xf32, #tpu.memory_space<vmem>>) dst(%dma_wait3A_391 : memref<200x64xf32, #tpu.memory_space<hbm>>)
        } else {
        }
        %add3A_351 = arith.constant 2 : i32
        %add3A_352 = arith.addi %add3A_241, %add3A_351 : i32
        %dma_start3A_353 = arith.constant 0 : i32
        %dma_start3A_354 = arith.constant 0 : i32
        %dma_start3A_355 = arith.constant 0 : i32
        %dma_start3A_356 = tpu.memref_slice %arg8[%dma_start3A_353, %dma_start3A_354, %dma_start3A_355] : memref<4x200x64xf32, #tpu.memory_space<vmem>> -> memref<1x128x64xf32, #tpu.memory_space<vmem>>
        %dma_start3A_357 = tpu.memref_squeeze %dma_start3A_356 : memref<1x128x64xf32, #tpu.memory_space<vmem>> -> memref<128x64xf32, #tpu.memory_space<vmem>>
        %dma_start3A_358 = arith.constant 0 : i32
        %dma_start3A_359 = tpu.memref_slice %arg6[%add3A_352, %dma_start3A_358] : memref<128x200xi32, #tpu.memory_space<vmem>> -> memref<1x128xi32, #tpu.memory_space<vmem>>
        %dma_start3A_360 = tpu.memref_squeeze %dma_start3A_359 : memref<1x128xi32, #tpu.memory_space<vmem>> -> memref<128xi32, #tpu.memory_space<vmem>>
        %dma_start3A_361 = arith.constant 0 : i32
        %dma_start3A_362 = arith.constant 0 : i32
        %dma_start3A_363 = tpu.memref_slice %arg2[%dma_start3A_361, %dma_start3A_362] : memref<100000x64xf32, #tpu.memory_space<hbm>> -> memref<100000x64xf32, #tpu.memory_space<hbm>>
        tpu.enqueue_indirect_dma source(%dma_start3A_363 : memref<100000x64xf32, #tpu.memory_space<hbm>>) target(%dma_start3A_357 : memref<128x64xf32, #tpu.memory_space<vmem>>) offsets(%dma_start3A_360 : memref<128xi32, #tpu.memory_space<vmem>>) semaphore(%arg9 : memref<!tpu.dma_semaphore, #tpu.memory_space<semaphore_mem>>)
        %dma_start3A_364 = arith.constant 0 : i32
        %dma_start3A_365 = arith.constant 128 : i32
        %dma_start3A_366 = arith.constant 0 : i32
        %dma_start3A_367 = tpu.memref_slice %arg8[%dma_start3A_364, %dma_start3A_365, %dma_start3A_366] : memref<4x200x64xf32, #tpu.memory_space<vmem>> -> memref<1x72x64xf32, #tpu.memory_space<vmem>>
        %dma_start3A_368 = tpu.memref_squeeze %dma_start3A_367 : memref<1x72x64xf32, #tpu.memory_space<vmem>> -> memref<72x64xf32, #tpu.memory_space<vmem>>
        %dma_start3A_369 = arith.constant 128 : i32
        %dma_start3A_370 = tpu.memref_slice %arg6[%add3A_352, %dma_start3A_369] : memref<128x200xi32, #tpu.memory_space<vmem>> -> memref<1x72xi32, #tpu.memory_space<vmem>>
        %dma_start3A_371 = tpu.memref_squeeze %dma_start3A_370 : memref<1x72xi32, #tpu.memory_space<vmem>> -> memref<72xi32, #tpu.memory_space<vmem>>
        %dma_start3A_372 = arith.constant 0 : i32
        %dma_start3A_373 = arith.constant 0 : i32
        %dma_start3A_374 = tpu.memref_slice %arg2[%dma_start3A_372, %dma_start3A_373] : memref<100000x64xf32, #tpu.memory_space<hbm>> -> memref<100000x64xf32, #tpu.memory_space<hbm>>
        tpu.enqueue_indirect_dma source(%dma_start3A_374 : memref<100000x64xf32, #tpu.memory_space<hbm>>) target(%dma_start3A_368 : memref<72x64xf32, #tpu.memory_space<vmem>>) offsets(%dma_start3A_371 : memref<72xi32, #tpu.memory_space<vmem>>) semaphore(%arg9 : memref<!tpu.dma_semaphore, #tpu.memory_space<semaphore_mem>>)
      } else {
      }
      %dma_wait3A_249 = arith.constant 2 : i32
      %dma_wait3A_250 = arith.constant 0 : i32
      %dma_wait3A_251 = arith.constant 0 : i32
      %dma_wait3A_252 = tpu.memref_slice %arg8[%dma_wait3A_249, %dma_wait3A_250, %dma_wait3A_251] : memref<4x200x64xf32, #tpu.memory_space<vmem>> -> memref<1x128x64xf32, #tpu.memory_space<vmem>>
      %dma_wait3A_253 = tpu.memref_squeeze %dma_wait3A_252 : memref<1x128x64xf32, #tpu.memory_space<vmem>> -> memref<128x64xf32, #tpu.memory_space<vmem>>
      %dma_wait3A_254 = arith.constant 0 : i32
      %dma_wait3A_255 = tpu.memref_slice %arg6[%add3A_241, %dma_wait3A_254] : memref<128x200xi32, #tpu.memory_space<vmem>> -> memref<1x128xi32, #tpu.memory_space<vmem>>
      %dma_wait3A_256 = tpu.memref_squeeze %dma_wait3A_255 : memref<1x128xi32, #tpu.memory_space<vmem>> -> memref<128xi32, #tpu.memory_space<vmem>>
      %dma_wait3A_257 = arith.constant 0 : i32
      %dma_wait3A_258 = arith.constant 0 : i32
      %dma_wait3A_259 = tpu.memref_slice %arg2[%dma_wait3A_257, %dma_wait3A_258] : memref<100000x64xf32, #tpu.memory_space<hbm>> -> memref<100000x64xf32, #tpu.memory_space<hbm>>
      tpu.wait_indirect_dma semaphore(%arg11 : memref<!tpu.dma_semaphore, #tpu.memory_space<semaphore_mem>>) src(%dma_wait3A_259 : memref<100000x64xf32, #tpu.memory_space<hbm>>) dst(%dma_wait3A_253 : memref<128x64xf32, #tpu.memory_space<vmem>>)
      %dma_wait3A_260 = arith.constant 2 : i32
      %dma_wait3A_261 = arith.constant 128 : i32
      %dma_wait3A_262 = arith.constant 0 : i32
      %dma_wait3A_263 = tpu.memref_slice %arg8[%dma_wait3A_260, %dma_wait3A_261, %dma_wait3A_262] : memref<4x200x64xf32, #tpu.memory_space<vmem>> -> memref<1x72x64xf32, #tpu.memory_space<vmem>>
      %dma_wait3A_264 = tpu.memref_squeeze %dma_wait3A_263 : memref<1x72x64xf32, #tpu.memory_space<vmem>> -> memref<72x64xf32, #tpu.memory_space<vmem>>
      %dma_wait3A_265 = arith.constant 128 : i32
      %dma_wait3A_266 = tpu.memref_slice %arg6[%add3A_241, %dma_wait3A_265] : memref<128x200xi32, #tpu.memory_space<vmem>> -> memref<1x72xi32, #tpu.memory_space<vmem>>
      %dma_wait3A_267 = tpu.memref_squeeze %dma_wait3A_266 : memref<1x72xi32, #tpu.memory_space<vmem>> -> memref<72xi32, #tpu.memory_space<vmem>>
      %dma_wait3A_268 = arith.constant 0 : i32
      %dma_wait3A_269 = arith.constant 0 : i32
      %dma_wait3A_270 = tpu.memref_slice %arg2[%dma_wait3A_268, %dma_wait3A_269] : memref<100000x64xf32, #tpu.memory_space<hbm>> -> memref<100000x64xf32, #tpu.memory_space<hbm>>
      tpu.wait_indirect_dma semaphore(%arg11 : memref<!tpu.dma_semaphore, #tpu.memory_space<semaphore_mem>>) src(%dma_wait3A_270 : memref<100000x64xf32, #tpu.memory_space<hbm>>) dst(%dma_wait3A_264 : memref<72x64xf32, #tpu.memory_space<vmem>>)
      %parallel_loop3A_271 = arith.constant 0 : i32
      %parallel_loop3A_272 = arith.constant 200 : i32
      %parallel_loop3A_273 = arith.constant 1 : i32
      scf.for %parallel_loop3A_347 = %parallel_loop3A_271 to %parallel_loop3A_272 step %parallel_loop3A_273  : i32 {
        %parallel_loop3A_348 = arith.constant 2 : i32
        %parallel_loop3A_349 = arith.index_cast %parallel_loop3A_348 : i32 to index
        %parallel_loop3A_350 = arith.index_cast %parallel_loop3A_347 : i32 to index
        %parallel_loop3A_351 = arith.constant 0 : index
        %parallel_loop3A_352 = tpu.vector_load %arg8[%parallel_loop3A_349, %parallel_loop3A_350, %parallel_loop3A_351] {strides = array<i32>} : memref<4x200x64xf32, #tpu.memory_space<vmem>>, vector<1x1x16xf32>,
        %parallel_loop3A_353 = vector.shape_cast %parallel_loop3A_352 : vector<1x1x16xf32> to vector<16xf32>
        %parallel_loop3A_354 = vector.broadcast %scan3A : f32 to vector<16xf32>
        %parallel_loop3A_355 = arith.mulf %parallel_loop3A_353, %parallel_loop3A_354 : vector<16xf32>
        %parallel_loop3A_356 = arith.index_cast %parallel_loop3A_347 : i32 to index
        %parallel_loop3A_357 = arith.constant 0 : index
        %parallel_loop3A_358 = tpu.vector_load %arg7[%parallel_loop3A_356, %parallel_loop3A_357] {strides = array<i32>} : memref<200x64xf32, #tpu.memory_space<vmem>>, vector<1x16xf32>,
        %parallel_loop3A_359 = vector.shape_cast %parallel_loop3A_358 : vector<1x16xf32> to vector<16xf32>
        %parallel_loop3A_360 = arith.addf %parallel_loop3A_355, %parallel_loop3A_359 : vector<16xf32>
        %parallel_loop3A_361 = arith.constant 2 : i32
        %parallel_loop3A_362 = arith.index_cast %parallel_loop3A_361 : i32 to index
        %parallel_loop3A_363 = arith.index_cast %parallel_loop3A_347 : i32 to index
        %parallel_loop3A_364 = arith.constant 0 : index
        %parallel_loop3A_365 = tpu.vector_load %arg8[%parallel_loop3A_362, %parallel_loop3A_363, %parallel_loop3A_364] {strides = array<i32>} : memref<4x200x64xf32, #tpu.memory_space<vmem>>, vector<1x1x16xf32>,
        %parallel_loop3A_366 = vector.shape_cast %parallel_loop3A_365 : vector<1x1x16xf32> to vector<16xf32>
        %parallel_loop3A_367 = vector.shape_cast %parallel_loop3A_360 : vector<16xf32> to vector<1x1x16xf32>
        tpu.vector_store %arg8[%parallel_loop3A_362, %parallel_loop3A_363, %parallel_loop3A_364], %parallel_loop3A_367 {strides = array<i32>} : memref<4x200x64xf32, #tpu.memory_space<vmem>>, vector<1x1x16xf32>,
        %parallel_loop3A_368 = arith.constant 2 : i32
        %parallel_loop3A_369 = arith.index_cast %parallel_loop3A_368 : i32 to index
        %parallel_loop3A_370 = arith.index_cast %parallel_loop3A_347 : i32 to index
        %parallel_loop3A_371 = arith.constant 16 : index
        %parallel_loop3A_372 = tpu.vector_load %arg8[%parallel_loop3A_369, %parallel_loop3A_370, %parallel_loop3A_371] {strides = array<i32>} : memref<4x200x64xf32, #tpu.memory_space<vmem>>, vector<1x1x16xf32>,
        %parallel_loop3A_373 = vector.shape_cast %parallel_loop3A_372 : vector<1x1x16xf32> to vector<16xf32>
        %parallel_loop3A_374 = vector.broadcast %scan3A : f32 to vector<16xf32>
        %parallel_loop3A_375 = arith.mulf %parallel_loop3A_373, %parallel_loop3A_374 : vector<16xf32>
        %parallel_loop3A_376 = arith.index_cast %parallel_loop3A_347 : i32 to index
        %parallel_loop3A_377 = arith.constant 16 : index
        %parallel_loop3A_378 = tpu.vector_load %arg7[%parallel_loop3A_376, %parallel_loop3A_377] {strides = array<i32>} : memref<200x64xf32, #tpu.memory_space<vmem>>, vector<1x16xf32>,
        %parallel_loop3A_379 = vector.shape_cast %parallel_loop3A_378 : vector<1x16xf32> to vector<16xf32>
        %parallel_loop3A_380 = arith.addf %parallel_loop3A_375, %parallel_loop3A_379 : vector<16xf32>
        %parallel_loop3A_381 = arith.constant 2 : i32
        %parallel_loop3A_382 = arith.index_cast %parallel_loop3A_381 : i32 to index
        %parallel_loop3A_383 = arith.index_cast %parallel_loop3A_347 : i32 to index
        %parallel_loop3A_384 = arith.constant 16 : index
        %parallel_loop3A_385 = tpu.vector_load %arg8[%parallel_loop3A_382, %parallel_loop3A_383, %parallel_loop3A_384] {strides = array<i32>} : memref<4x200x64xf32, #tpu.memory_space<vmem>>, vector<1x1x16xf32>,
        %parallel_loop3A_386 = vector.shape_cast %parallel_loop3A_385 : vector<1x1x16xf32> to vector<16xf32>
        %parallel_loop3A_387 = vector.shape_cast %parallel_loop3A_380 : vector<16xf32> to vector<1x1x16xf32>
        tpu.vector_store %arg8[%parallel_loop3A_382, %parallel_loop3A_383, %parallel_loop3A_384], %parallel_loop3A_387 {strides = array<i32>} : memref<4x200x64xf32, #tpu.memory_space<vmem>>, vector<1x1x16xf32>,
        %parallel_loop3A_388 = arith.constant 2 : i32
        %parallel_loop3A_389 = arith.index_cast %parallel_loop3A_388 : i32 to index
        %parallel_loop3A_390 = arith.index_cast %parallel_loop3A_347 : i32 to index
        %parallel_loop3A_391 = arith.constant 32 : index
        %parallel_loop3A_392 = tpu.vector_load %arg8[%parallel_loop3A_389, %parallel_loop3A_390, %parallel_loop3A_391] {strides = array<i32>} : memref<4x200x64xf32, #tpu.memory_space<vmem>>, vector<1x1x16xf32>,
        %parallel_loop3A_393 = vector.shape_cast %parallel_loop3A_392 : vector<1x1x16xf32> to vector<16xf32>
        %parallel_loop3A_394 = vector.broadcast %scan3A : f32 to vector<16xf32>
        %parallel_loop3A_395 = arith.mulf %parallel_loop3A_393, %parallel_loop3A_394 : vector<16xf32>
        %parallel_loop3A_396 = arith.index_cast %parallel_loop3A_347 : i32 to index
        %parallel_loop3A_397 = arith.constant 32 : index
        %parallel_loop3A_398 = tpu.vector_load %arg7[%parallel_loop3A_396, %parallel_loop3A_397] {strides = array<i32>} : memref<200x64xf32, #tpu.memory_space<vmem>>, vector<1x16xf32>,
        %parallel_loop3A_399 = vector.shape_cast %parallel_loop3A_398 : vector<1x16xf32> to vector<16xf32>
        %parallel_loop3A_400 = arith.addf %parallel_loop3A_395, %parallel_loop3A_399 : vector<16xf32>
        %parallel_loop3A_401 = arith.constant 2 : i32
        %parallel_loop3A_402 = arith.index_cast %parallel_loop3A_401 : i32 to index
        %parallel_loop3A_403 = arith.index_cast %parallel_loop3A_347 : i32 to index
        %parallel_loop3A_404 = arith.constant 32 : index
        %parallel_loop3A_405 = tpu.vector_load %arg8[%parallel_loop3A_402, %parallel_loop3A_403, %parallel_loop3A_404] {strides = array<i32>} : memref<4x200x64xf32, #tpu.memory_space<vmem>>, vector<1x1x16xf32>,
        %parallel_loop3A_406 = vector.shape_cast %parallel_loop3A_405 : vector<1x1x16xf32> to vector<16xf32>
        %parallel_loop3A_407 = vector.shape_cast %parallel_loop3A_400 : vector<16xf32> to vector<1x1x16xf32>
        tpu.vector_store %arg8[%parallel_loop3A_402, %parallel_loop3A_403, %parallel_loop3A_404], %parallel_loop3A_407 {strides = array<i32>} : memref<4x200x64xf32, #tpu.memory_space<vmem>>, vector<1x1x16xf32>,
        %parallel_loop3A_408 = arith.constant 2 : i32
        %parallel_loop3A_409 = arith.index_cast %parallel_loop3A_408 : i32 to index
        %parallel_loop3A_410 = arith.index_cast %parallel_loop3A_347 : i32 to index
        %parallel_loop3A_411 = arith.constant 48 : index
        %parallel_loop3A_412 = tpu.vector_load %arg8[%parallel_loop3A_409, %parallel_loop3A_410, %parallel_loop3A_411] {strides = array<i32>} : memref<4x200x64xf32, #tpu.memory_space<vmem>>, vector<1x1x16xf32>,
        %parallel_loop3A_413 = vector.shape_cast %parallel_loop3A_412 : vector<1x1x16xf32> to vector<16xf32>
        %parallel_loop3A_414 = vector.broadcast %scan3A : f32 to vector<16xf32>
        %parallel_loop3A_415 = arith.mulf %parallel_loop3A_413, %parallel_loop3A_414 : vector<16xf32>
        %parallel_loop3A_416 = arith.index_cast %parallel_loop3A_347 : i32 to index
        %parallel_loop3A_417 = arith.constant 48 : index
        %parallel_loop3A_418 = tpu.vector_load %arg7[%parallel_loop3A_416, %parallel_loop3A_417] {strides = array<i32>} : memref<200x64xf32, #tpu.memory_space<vmem>>, vector<1x16xf32>,
        %parallel_loop3A_419 = vector.shape_cast %parallel_loop3A_418 : vector<1x16xf32> to vector<16xf32>
        %parallel_loop3A_420 = arith.addf %parallel_loop3A_415, %parallel_loop3A_419 : vector<16xf32>
        %parallel_loop3A_421 = arith.constant 2 : i32
        %parallel_loop3A_422 = arith.index_cast %parallel_loop3A_421 : i32 to index
        %parallel_loop3A_423 = arith.index_cast %parallel_loop3A_347 : i32 to index
        %parallel_loop3A_424 = arith.constant 48 : index
        %parallel_loop3A_425 = tpu.vector_load %arg8[%parallel_loop3A_422, %parallel_loop3A_423, %parallel_loop3A_424] {strides = array<i32>} : memref<4x200x64xf32, #tpu.memory_space<vmem>>, vector<1x1x16xf32>,
        %parallel_loop3A_426 = vector.shape_cast %parallel_loop3A_425 : vector<1x1x16xf32> to vector<16xf32>
        %parallel_loop3A_427 = vector.shape_cast %parallel_loop3A_420 : vector<16xf32> to vector<1x1x16xf32>
        tpu.vector_store %arg8[%parallel_loop3A_422, %parallel_loop3A_423, %parallel_loop3A_424], %parallel_loop3A_427 {strides = array<i32>} : memref<4x200x64xf32, #tpu.memory_space<vmem>>, vector<1x1x16xf32>,
      } {sc.loop_unroll_factor = 4 : i64, sc.parallel_access}
      %add3A_274 = arith.addi %mul3A_2, %add3A_241 : i32
      %dma_start3A_275 = arith.constant 2 : i32
      %dma_start3A_276 = arith.constant 0 : i32
      %dma_start3A_277 = arith.constant 0 : i32
      %dma_start3A_278 = tpu.memref_slice %arg8[%dma_start3A_275, %dma_start3A_276, %dma_start3A_277] : memref<4x200x64xf32, #tpu.memory_space<vmem>> -> memref<1x200x64xf32, #tpu.memory_space<vmem>>
      %dma_start3A_279 = tpu.memref_squeeze %dma_start3A_278 : memref<1x200x64xf32, #tpu.memory_space<vmem>> -> memref<200x64xf32, #tpu.memory_space<vmem>>
      %dma_start3A_280 = arith.constant 0 : i32
      %dma_start3A_281 = arith.constant 0 : i32
      %dma_start3A_282 = tpu.memref_slice %arg5[%add3A_274, %dma_start3A_280, %dma_start3A_281] : memref<4096x200x64xf32, #tpu.memory_space<hbm>> -> memref<1x200x64xf32, #tpu.memory_space<hbm>>
      %dma_start3A_283 = tpu.memref_squeeze %dma_start3A_282 : memref<1x200x64xf32, #tpu.memory_space<hbm>> -> memref<200x64xf32, #tpu.memory_space<hbm>>
      %dma_start3A_284 = arith.constant 0 : i32
      %dma_start3A_285 = arith.constant 0 : i32
      %dma_start3A_286 = tpu.memref_slice %arg5[%add3A_274, %dma_start3A_284, %dma_start3A_285] : memref<4096x200x64xf32, #tpu.memory_space<hbm>> -> memref<1x200x64xf32, #tpu.memory_space<hbm>>
      %dma_start3A_287 = tpu.memref_squeeze %dma_start3A_286 : memref<1x200x64xf32, #tpu.memory_space<hbm>> -> memref<200x64xf32, #tpu.memory_space<hbm>>
      %dma_start3A_288 = arith.constant 0 : i32
      %dma_start3A_289 = arith.constant 0 : i32
      %dma_start3A_290 = tpu.memref_slice %arg8[%dma_start3A_275, %dma_start3A_288, %dma_start3A_289] : memref<4x200x64xf32, #tpu.memory_space<vmem>> -> memref<1x200x64xf32, #tpu.memory_space<vmem>>
      %dma_start3A_291 = tpu.memref_squeeze %dma_start3A_290 : memref<1x200x64xf32, #tpu.memory_space<vmem>> -> memref<200x64xf32, #tpu.memory_space<vmem>>
      tpu.enqueue_dma source(%dma_start3A_291 : memref<200x64xf32, #tpu.memory_space<vmem>>) target(%dma_start3A_287 : memref<200x64xf32, #tpu.memory_space<hbm>>) target_semaphore(%arg15 : memref<!tpu.dma_semaphore, #tpu.memory_space<semaphore_mem>>)
      %mul3A_292 = arith.constant 4 : i32
      %mul3A_293 = arith.muli %scan3A_132, %mul3A_292 : i32
      %add3A_294 = arith.constant 3 : i32
      %add3A_295 = arith.addi %mul3A_293, %add3A_294 : i32
      %add3A_296 = arith.constant 2 : i32
      %add3A_297 = arith.addi %add3A_295, %add3A_296 : i32
      %lt3A_298 = arith.constant 128 : i32
      %lt3A_299 = arith.cmpi slt, %add3A_297, %lt3A_298 : i32
      %convert_element_type3A_300 = arith.extui %lt3A_299 : i1 to i32
      %cond3A_301 = arith.constant 0 : i32
      %cond3A_302 = arith.cmpi ne, %convert_element_type3A_300, %cond3A_301 : i32
      scf.if %cond3A_302 {
        %ge3A = arith.constant 2 : i32
        %ge3A_347 = arith.cmpi sge, %add3A_295, %ge3A : i32
        %convert_element_type3A_348 = arith.extui %ge3A_347 : i1 to i32
        %cond3A_349 = arith.constant 0 : i32
        %cond3A_350 = arith.cmpi ne, %convert_element_type3A_348, %cond3A_349 : i32
        scf.if %cond3A_350 {
          %add3A_375 = arith.constant 2 : i32
          %add3A_376 = arith.addi %add3A_295, %add3A_375 : i32
          %sub3A = arith.constant 4 : i32
          %sub3A_377 = arith.subi %add3A_376, %sub3A : i32
          %add3A_378 = arith.addi %mul3A_2, %sub3A_377 : i32
          %dma_wait3A_379 = arith.constant 1 : i32
          %dma_wait3A_380 = arith.constant 0 : i32
          %dma_wait3A_381 = arith.constant 0 : i32
          %dma_wait3A_382 = tpu.memref_slice %arg8[%dma_wait3A_379, %dma_wait3A_380, %dma_wait3A_381] : memref<4x200x64xf32, #tpu.memory_space<vmem>> -> memref<1x200x64xf32, #tpu.memory_space<vmem>>
          %dma_wait3A_383 = tpu.memref_squeeze %dma_wait3A_382 : memref<1x200x64xf32, #tpu.memory_space<vmem>> -> memref<200x64xf32, #tpu.memory_space<vmem>>
          %dma_wait3A_384 = arith.constant 0 : i32
          %dma_wait3A_385 = arith.constant 0 : i32
          %dma_wait3A_386 = tpu.memref_slice %arg5[%add3A_378, %dma_wait3A_384, %dma_wait3A_385] : memref<4096x200x64xf32, #tpu.memory_space<hbm>> -> memref<1x200x64xf32, #tpu.memory_space<hbm>>
          %dma_wait3A_387 = tpu.memref_squeeze %dma_wait3A_386 : memref<1x200x64xf32, #tpu.memory_space<hbm>> -> memref<200x64xf32, #tpu.memory_space<hbm>>
          %dma_wait3A_388 = arith.constant 0 : i32
          %dma_wait3A_389 = arith.constant 0 : i32
          %dma_wait3A_390 = tpu.memref_slice %arg5[%add3A_378, %dma_wait3A_388, %dma_wait3A_389] : memref<4096x200x64xf32, #tpu.memory_space<hbm>> -> memref<1x200x64xf32, #tpu.memory_space<hbm>>
          %dma_wait3A_391 = tpu.memref_squeeze %dma_wait3A_390 : memref<1x200x64xf32, #tpu.memory_space<hbm>> -> memref<200x64xf32, #tpu.memory_space<hbm>>
          %dma_wait3A_392 = arith.constant 0 : i32
          %dma_wait3A_393 = arith.constant 0 : i32
          %dma_wait3A_394 = tpu.memref_slice %arg8[%dma_wait3A_379, %dma_wait3A_392, %dma_wait3A_393] : memref<4x200x64xf32, #tpu.memory_space<vmem>> -> memref<1x200x64xf32, #tpu.memory_space<vmem>>
          %dma_wait3A_395 = tpu.memref_squeeze %dma_wait3A_394 : memref<1x200x64xf32, #tpu.memory_space<vmem>> -> memref<200x64xf32, #tpu.memory_space<vmem>>
          tpu.wait_dma2 semaphore(%arg14 : memref<!tpu.dma_semaphore, #tpu.memory_space<semaphore_mem>>) src(%dma_wait3A_395 : memref<200x64xf32, #tpu.memory_space<vmem>>) dst(%dma_wait3A_391 : memref<200x64xf32, #tpu.memory_space<hbm>>)
        } else {
        }
        %add3A_351 = arith.constant 2 : i32
        %add3A_352 = arith.addi %add3A_295, %add3A_351 : i32
        %dma_start3A_353 = arith.constant 1 : i32
        %dma_start3A_354 = arith.constant 0 : i32
        %dma_start3A_355 = arith.constant 0 : i32
        %dma_start3A_356 = tpu.memref_slice %arg8[%dma_start3A_353, %dma_start3A_354, %dma_start3A_355] : memref<4x200x64xf32, #tpu.memory_space<vmem>> -> memref<1x128x64xf32, #tpu.memory_space<vmem>>
        %dma_start3A_357 = tpu.memref_squeeze %dma_start3A_356 : memref<1x128x64xf32, #tpu.memory_space<vmem>> -> memref<128x64xf32, #tpu.memory_space<vmem>>
        %dma_start3A_358 = arith.constant 0 : i32
        %dma_start3A_359 = tpu.memref_slice %arg6[%add3A_352, %dma_start3A_358] : memref<128x200xi32, #tpu.memory_space<vmem>> -> memref<1x128xi32, #tpu.memory_space<vmem>>
        %dma_start3A_360 = tpu.memref_squeeze %dma_start3A_359 : memref<1x128xi32, #tpu.memory_space<vmem>> -> memref<128xi32, #tpu.memory_space<vmem>>
        %dma_start3A_361 = arith.constant 0 : i32
        %dma_start3A_362 = arith.constant 0 : i32
        %dma_start3A_363 = tpu.memref_slice %arg2[%dma_start3A_361, %dma_start3A_362] : memref<100000x64xf32, #tpu.memory_space<hbm>> -> memref<100000x64xf32, #tpu.memory_space<hbm>>
        tpu.enqueue_indirect_dma source(%dma_start3A_363 : memref<100000x64xf32, #tpu.memory_space<hbm>>) target(%dma_start3A_357 : memref<128x64xf32, #tpu.memory_space<vmem>>) offsets(%dma_start3A_360 : memref<128xi32, #tpu.memory_space<vmem>>) semaphore(%arg10 : memref<!tpu.dma_semaphore, #tpu.memory_space<semaphore_mem>>)
        %dma_start3A_364 = arith.constant 1 : i32
        %dma_start3A_365 = arith.constant 128 : i32
        %dma_start3A_366 = arith.constant 0 : i32
        %dma_start3A_367 = tpu.memref_slice %arg8[%dma_start3A_364, %dma_start3A_365, %dma_start3A_366] : memref<4x200x64xf32, #tpu.memory_space<vmem>> -> memref<1x72x64xf32, #tpu.memory_space<vmem>>
        %dma_start3A_368 = tpu.memref_squeeze %dma_start3A_367 : memref<1x72x64xf32, #tpu.memory_space<vmem>> -> memref<72x64xf32, #tpu.memory_space<vmem>>
        %dma_start3A_369 = arith.constant 128 : i32
        %dma_start3A_370 = tpu.memref_slice %arg6[%add3A_352, %dma_start3A_369] : memref<128x200xi32, #tpu.memory_space<vmem>> -> memref<1x72xi32, #tpu.memory_space<vmem>>
        %dma_start3A_371 = tpu.memref_squeeze %dma_start3A_370 : memref<1x72xi32, #tpu.memory_space<vmem>> -> memref<72xi32, #tpu.memory_space<vmem>>
        %dma_start3A_372 = arith.constant 0 : i32
        %dma_start3A_373 = arith.constant 0 : i32
        %dma_start3A_374 = tpu.memref_slice %arg2[%dma_start3A_372, %dma_start3A_373] : memref<100000x64xf32, #tpu.memory_space<hbm>> -> memref<100000x64xf32, #tpu.memory_space<hbm>>
        tpu.enqueue_indirect_dma source(%dma_start3A_374 : memref<100000x64xf32, #tpu.memory_space<hbm>>) target(%dma_start3A_368 : memref<72x64xf32, #tpu.memory_space<vmem>>) offsets(%dma_start3A_371 : memref<72xi32, #tpu.memory_space<vmem>>) semaphore(%arg10 : memref<!tpu.dma_semaphore, #tpu.memory_space<semaphore_mem>>)
      } else {
      }
      %dma_wait3A_303 = arith.constant 3 : i32
      %dma_wait3A_304 = arith.constant 0 : i32
      %dma_wait3A_305 = arith.constant 0 : i32
      %dma_wait3A_306 = tpu.memref_slice %arg8[%dma_wait3A_303, %dma_wait3A_304, %dma_wait3A_305] : memref<4x200x64xf32, #tpu.memory_space<vmem>> -> memref<1x128x64xf32, #tpu.memory_space<vmem>>
      %dma_wait3A_307 = tpu.memref_squeeze %dma_wait3A_306 : memref<1x128x64xf32, #tpu.memory_space<vmem>> -> memref<128x64xf32, #tpu.memory_space<vmem>>
      %dma_wait3A_308 = arith.constant 0 : i32
      %dma_wait3A_309 = tpu.memref_slice %arg6[%add3A_295, %dma_wait3A_308] : memref<128x200xi32, #tpu.memory_space<vmem>> -> memref<1x128xi32, #tpu.memory_space<vmem>>
      %dma_wait3A_310 = tpu.memref_squeeze %dma_wait3A_309 : memref<1x128xi32, #tpu.memory_space<vmem>> -> memref<128xi32, #tpu.memory_space<vmem>>
      %dma_wait3A_311 = arith.constant 0 : i32
      %dma_wait3A_312 = arith.constant 0 : i32
      %dma_wait3A_313 = tpu.memref_slice %arg2[%dma_wait3A_311, %dma_wait3A_312] : memref<100000x64xf32, #tpu.memory_space<hbm>> -> memref<100000x64xf32, #tpu.memory_space<hbm>>
      tpu.wait_indirect_dma semaphore(%arg12 : memref<!tpu.dma_semaphore, #tpu.memory_space<semaphore_mem>>) src(%dma_wait3A_313 : memref<100000x64xf32, #tpu.memory_space<hbm>>) dst(%dma_wait3A_307 : memref<128x64xf32, #tpu.memory_space<vmem>>)
      %dma_wait3A_314 = arith.constant 3 : i32
      %dma_wait3A_315 = arith.constant 128 : i32
      %dma_wait3A_316 = arith.constant 0 : i32
      %dma_wait3A_317 = tpu.memref_slice %arg8[%dma_wait3A_314, %dma_wait3A_315, %dma_wait3A_316] : memref<4x200x64xf32, #tpu.memory_space<vmem>> -> memref<1x72x64xf32, #tpu.memory_space<vmem>>
      %dma_wait3A_318 = tpu.memref_squeeze %dma_wait3A_317 : memref<1x72x64xf32, #tpu.memory_space<vmem>> -> memref<72x64xf32, #tpu.memory_space<vmem>>
      %dma_wait3A_319 = arith.constant 128 : i32
      %dma_wait3A_320 = tpu.memref_slice %arg6[%add3A_295, %dma_wait3A_319] : memref<128x200xi32, #tpu.memory_space<vmem>> -> memref<1x72xi32, #tpu.memory_space<vmem>>
      %dma_wait3A_321 = tpu.memref_squeeze %dma_wait3A_320 : memref<1x72xi32, #tpu.memory_space<vmem>> -> memref<72xi32, #tpu.memory_space<vmem>>
      %dma_wait3A_322 = arith.constant 0 : i32
      %dma_wait3A_323 = arith.constant 0 : i32
      %dma_wait3A_324 = tpu.memref_slice %arg2[%dma_wait3A_322, %dma_wait3A_323] : memref<100000x64xf32, #tpu.memory_space<hbm>> -> memref<100000x64xf32, #tpu.memory_space<hbm>>
      tpu.wait_indirect_dma semaphore(%arg12 : memref<!tpu.dma_semaphore, #tpu.memory_space<semaphore_mem>>) src(%dma_wait3A_324 : memref<100000x64xf32, #tpu.memory_space<hbm>>) dst(%dma_wait3A_318 : memref<72x64xf32, #tpu.memory_space<vmem>>)
      %parallel_loop3A_325 = arith.constant 0 : i32
      %parallel_loop3A_326 = arith.constant 200 : i32
      %parallel_loop3A_327 = arith.constant 1 : i32
      scf.for %parallel_loop3A_347 = %parallel_loop3A_325 to %parallel_loop3A_326 step %parallel_loop3A_327  : i32 {
        %parallel_loop3A_348 = arith.constant 3 : i32
        %parallel_loop3A_349 = arith.index_cast %parallel_loop3A_348 : i32 to index
        %parallel_loop3A_350 = arith.index_cast %parallel_loop3A_347 : i32 to index
        %parallel_loop3A_351 = arith.constant 0 : index
        %parallel_loop3A_352 = tpu.vector_load %arg8[%parallel_loop3A_349, %parallel_loop3A_350, %parallel_loop3A_351] {strides = array<i32>} : memref<4x200x64xf32, #tpu.memory_space<vmem>>, vector<1x1x16xf32>,
        %parallel_loop3A_353 = vector.shape_cast %parallel_loop3A_352 : vector<1x1x16xf32> to vector<16xf32>
        %parallel_loop3A_354 = vector.broadcast %scan3A : f32 to vector<16xf32>
        %parallel_loop3A_355 = arith.mulf %parallel_loop3A_353, %parallel_loop3A_354 : vector<16xf32>
        %parallel_loop3A_356 = arith.index_cast %parallel_loop3A_347 : i32 to index
        %parallel_loop3A_357 = arith.constant 0 : index
        %parallel_loop3A_358 = tpu.vector_load %arg7[%parallel_loop3A_356, %parallel_loop3A_357] {strides = array<i32>} : memref<200x64xf32, #tpu.memory_space<vmem>>, vector<1x16xf32>,
        %parallel_loop3A_359 = vector.shape_cast %parallel_loop3A_358 : vector<1x16xf32> to vector<16xf32>
        %parallel_loop3A_360 = arith.addf %parallel_loop3A_355, %parallel_loop3A_359 : vector<16xf32>
        %parallel_loop3A_361 = arith.constant 3 : i32
        %parallel_loop3A_362 = arith.index_cast %parallel_loop3A_361 : i32 to index
        %parallel_loop3A_363 = arith.index_cast %parallel_loop3A_347 : i32 to index
        %parallel_loop3A_364 = arith.constant 0 : index
        %parallel_loop3A_365 = tpu.vector_load %arg8[%parallel_loop3A_362, %parallel_loop3A_363, %parallel_loop3A_364] {strides = array<i32>} : memref<4x200x64xf32, #tpu.memory_space<vmem>>, vector<1x1x16xf32>,
        %parallel_loop3A_366 = vector.shape_cast %parallel_loop3A_365 : vector<1x1x16xf32> to vector<16xf32>
        %parallel_loop3A_367 = vector.shape_cast %parallel_loop3A_360 : vector<16xf32> to vector<1x1x16xf32>
        tpu.vector_store %arg8[%parallel_loop3A_362, %parallel_loop3A_363, %parallel_loop3A_364], %parallel_loop3A_367 {strides = array<i32>} : memref<4x200x64xf32, #tpu.memory_space<vmem>>, vector<1x1x16xf32>,
        %parallel_loop3A_368 = arith.constant 3 : i32
        %parallel_loop3A_369 = arith.index_cast %parallel_loop3A_368 : i32 to index
        %parallel_loop3A_370 = arith.index_cast %parallel_loop3A_347 : i32 to index
        %parallel_loop3A_371 = arith.constant 16 : index
        %parallel_loop3A_372 = tpu.vector_load %arg8[%parallel_loop3A_369, %parallel_loop3A_370, %parallel_loop3A_371] {strides = array<i32>} : memref<4x200x64xf32, #tpu.memory_space<vmem>>, vector<1x1x16xf32>,
        %parallel_loop3A_373 = vector.shape_cast %parallel_loop3A_372 : vector<1x1x16xf32> to vector<16xf32>
        %parallel_loop3A_374 = vector.broadcast %scan3A : f32 to vector<16xf32>
        %parallel_loop3A_375 = arith.mulf %parallel_loop3A_373, %parallel_loop3A_374 : vector<16xf32>
        %parallel_loop3A_376 = arith.index_cast %parallel_loop3A_347 : i32 to index
        %parallel_loop3A_377 = arith.constant 16 : index
        %parallel_loop3A_378 = tpu.vector_load %arg7[%parallel_loop3A_376, %parallel_loop3A_377] {strides = array<i32>} : memref<200x64xf32, #tpu.memory_space<vmem>>, vector<1x16xf32>,
        %parallel_loop3A_379 = vector.shape_cast %parallel_loop3A_378 : vector<1x16xf32> to vector<16xf32>
        %parallel_loop3A_380 = arith.addf %parallel_loop3A_375, %parallel_loop3A_379 : vector<16xf32>
        %parallel_loop3A_381 = arith.constant 3 : i32
        %parallel_loop3A_382 = arith.index_cast %parallel_loop3A_381 : i32 to index
        %parallel_loop3A_383 = arith.index_cast %parallel_loop3A_347 : i32 to index
        %parallel_loop3A_384 = arith.constant 16 : index
        %parallel_loop3A_385 = tpu.vector_load %arg8[%parallel_loop3A_382, %parallel_loop3A_383, %parallel_loop3A_384] {strides = array<i32>} : memref<4x200x64xf32, #tpu.memory_space<vmem>>, vector<1x1x16xf32>,
        %parallel_loop3A_386 = vector.shape_cast %parallel_loop3A_385 : vector<1x1x16xf32> to vector<16xf32>
        %parallel_loop3A_387 = vector.shape_cast %parallel_loop3A_380 : vector<16xf32> to vector<1x1x16xf32>
        tpu.vector_store %arg8[%parallel_loop3A_382, %parallel_loop3A_383, %parallel_loop3A_384], %parallel_loop3A_387 {strides = array<i32>} : memref<4x200x64xf32, #tpu.memory_space<vmem>>, vector<1x1x16xf32>,
        %parallel_loop3A_388 = arith.constant 3 : i32
        %parallel_loop3A_389 = arith.index_cast %parallel_loop3A_388 : i32 to index
        %parallel_loop3A_390 = arith.index_cast %parallel_loop3A_347 : i32 to index
        %parallel_loop3A_391 = arith.constant 32 : index
        %parallel_loop3A_392 = tpu.vector_load %arg8[%parallel_loop3A_389, %parallel_loop3A_390, %parallel_loop3A_391] {strides = array<i32>} : memref<4x200x64xf32, #tpu.memory_space<vmem>>, vector<1x1x16xf32>,
        %parallel_loop3A_393 = vector.shape_cast %parallel_loop3A_392 : vector<1x1x16xf32> to vector<16xf32>
        %parallel_loop3A_394 = vector.broadcast %scan3A : f32 to vector<16xf32>
        %parallel_loop3A_395 = arith.mulf %parallel_loop3A_393, %parallel_loop3A_394 : vector<16xf32>
        %parallel_loop3A_396 = arith.index_cast %parallel_loop3A_347 : i32 to index
        %parallel_loop3A_397 = arith.constant 32 : index
        %parallel_loop3A_398 = tpu.vector_load %arg7[%parallel_loop3A_396, %parallel_loop3A_397] {strides = array<i32>} : memref<200x64xf32, #tpu.memory_space<vmem>>, vector<1x16xf32>,
        %parallel_loop3A_399 = vector.shape_cast %parallel_loop3A_398 : vector<1x16xf32> to vector<16xf32>
        %parallel_loop3A_400 = arith.addf %parallel_loop3A_395, %parallel_loop3A_399 : vector<16xf32>
        %parallel_loop3A_401 = arith.constant 3 : i32
        %parallel_loop3A_402 = arith.index_cast %parallel_loop3A_401 : i32 to index
        %parallel_loop3A_403 = arith.index_cast %parallel_loop3A_347 : i32 to index
        %parallel_loop3A_404 = arith.constant 32 : index
        %parallel_loop3A_405 = tpu.vector_load %arg8[%parallel_loop3A_402, %parallel_loop3A_403, %parallel_loop3A_404] {strides = array<i32>} : memref<4x200x64xf32, #tpu.memory_space<vmem>>, vector<1x1x16xf32>,
        %parallel_loop3A_406 = vector.shape_cast %parallel_loop3A_405 : vector<1x1x16xf32> to vector<16xf32>
        %parallel_loop3A_407 = vector.shape_cast %parallel_loop3A_400 : vector<16xf32> to vector<1x1x16xf32>
        tpu.vector_store %arg8[%parallel_loop3A_402, %parallel_loop3A_403, %parallel_loop3A_404], %parallel_loop3A_407 {strides = array<i32>} : memref<4x200x64xf32, #tpu.memory_space<vmem>>, vector<1x1x16xf32>,
        %parallel_loop3A_408 = arith.constant 3 : i32
        %parallel_loop3A_409 = arith.index_cast %parallel_loop3A_408 : i32 to index
        %parallel_loop3A_410 = arith.index_cast %parallel_loop3A_347 : i32 to index
        %parallel_loop3A_411 = arith.constant 48 : index
        %parallel_loop3A_412 = tpu.vector_load %arg8[%parallel_loop3A_409, %parallel_loop3A_410, %parallel_loop3A_411] {strides = array<i32>} : memref<4x200x64xf32, #tpu.memory_space<vmem>>, vector<1x1x16xf32>,
        %parallel_loop3A_413 = vector.shape_cast %parallel_loop3A_412 : vector<1x1x16xf32> to vector<16xf32>
        %parallel_loop3A_414 = vector.broadcast %scan3A : f32 to vector<16xf32>
        %parallel_loop3A_415 = arith.mulf %parallel_loop3A_413, %parallel_loop3A_414 : vector<16xf32>
        %parallel_loop3A_416 = arith.index_cast %parallel_loop3A_347 : i32 to index
        %parallel_loop3A_417 = arith.constant 48 : index
        %parallel_loop3A_418 = tpu.vector_load %arg7[%parallel_loop3A_416, %parallel_loop3A_417] {strides = array<i32>} : memref<200x64xf32, #tpu.memory_space<vmem>>, vector<1x16xf32>,
        %parallel_loop3A_419 = vector.shape_cast %parallel_loop3A_418 : vector<1x16xf32> to vector<16xf32>
        %parallel_loop3A_420 = arith.addf %parallel_loop3A_415, %parallel_loop3A_419 : vector<16xf32>
        %parallel_loop3A_421 = arith.constant 3 : i32
        %parallel_loop3A_422 = arith.index_cast %parallel_loop3A_421 : i32 to index
        %parallel_loop3A_423 = arith.index_cast %parallel_loop3A_347 : i32 to index
        %parallel_loop3A_424 = arith.constant 48 : index
        %parallel_loop3A_425 = tpu.vector_load %arg8[%parallel_loop3A_422, %parallel_loop3A_423, %parallel_loop3A_424] {strides = array<i32>} : memref<4x200x64xf32, #tpu.memory_space<vmem>>, vector<1x1x16xf32>,
        %parallel_loop3A_426 = vector.shape_cast %parallel_loop3A_425 : vector<1x1x16xf32> to vector<16xf32>
        %parallel_loop3A_427 = vector.shape_cast %parallel_loop3A_420 : vector<16xf32> to vector<1x1x16xf32>
        tpu.vector_store %arg8[%parallel_loop3A_422, %parallel_loop3A_423, %parallel_loop3A_424], %parallel_loop3A_427 {strides = array<i32>} : memref<4x200x64xf32, #tpu.memory_space<vmem>>, vector<1x1x16xf32>,
      } {sc.loop_unroll_factor = 4 : i64, sc.parallel_access}
      %add3A_328 = arith.addi %mul3A_2, %add3A_295 : i32
      %dma_start3A_329 = arith.constant 3 : i32
      %dma_start3A_330 = arith.constant 0 : i32
      %dma_start3A_331 = arith.constant 0 : i32
      %dma_start3A_332 = tpu.memref_slice %arg8[%dma_start3A_329, %dma_start3A_330, %dma_start3A_331] : memref<4x200x64xf32, #tpu.memory_space<vmem>> -> memref<1x200x64xf32, #tpu.memory_space<vmem>>
      %dma_start3A_333 = tpu.memref_squeeze %dma_start3A_332 : memref<1x200x64xf32, #tpu.memory_space<vmem>> -> memref<200x64xf32, #tpu.memory_space<vmem>>
      %dma_start3A_334 = arith.constant 0 : i32
      %dma_start3A_335 = arith.constant 0 : i32
      %dma_start3A_336 = tpu.memref_slice %arg5[%add3A_328, %dma_start3A_334, %dma_start3A_335] : memref<4096x200x64xf32, #tpu.memory_space<hbm>> -> memref<1x200x64xf32, #tpu.memory_space<hbm>>
      %dma_start3A_337 = tpu.memref_squeeze %dma_start3A_336 : memref<1x200x64xf32, #tpu.memory_space<hbm>> -> memref<200x64xf32, #tpu.memory_space<hbm>>
      %dma_start3A_338 = arith.constant 0 : i32
      %dma_start3A_339 = arith.constant 0 : i32
      %dma_start3A_340 = tpu.memref_slice %arg5[%add3A_328, %dma_start3A_338, %dma_start3A_339] : memref<4096x200x64xf32, #tpu.memory_space<hbm>> -> memref<1x200x64xf32, #tpu.memory_space<hbm>>
      %dma_start3A_341 = tpu.memref_squeeze %dma_start3A_340 : memref<1x200x64xf32, #tpu.memory_space<hbm>> -> memref<200x64xf32, #tpu.memory_space<hbm>>
      %dma_start3A_342 = arith.constant 0 : i32
      %dma_start3A_343 = arith.constant 0 : i32
      %dma_start3A_344 = tpu.memref_slice %arg8[%dma_start3A_329, %dma_start3A_342, %dma_start3A_343] : memref<4x200x64xf32, #tpu.memory_space<vmem>> -> memref<1x200x64xf32, #tpu.memory_space<vmem>>
      %dma_start3A_345 = tpu.memref_squeeze %dma_start3A_344 : memref<1x200x64xf32, #tpu.memory_space<vmem>> -> memref<200x64xf32, #tpu.memory_space<vmem>>
      tpu.enqueue_dma source(%dma_start3A_345 : memref<200x64xf32, #tpu.memory_space<vmem>>) target(%dma_start3A_341 : memref<200x64xf32, #tpu.memory_space<hbm>>) target_semaphore(%arg16 : memref<!tpu.dma_semaphore, #tpu.memory_space<semaphore_mem>>)
      %scan3A_346 = arith.constant 0 : i32
      scf.yield %scan3A_346 : i32
    }
    %scan3A_56 = arith.constant 32 : i32
    %add3A_57 = arith.constant 124 : i32
    %add3A_58 = arith.addi %mul3A_2, %add3A_57 : i32
    %dma_wait3A = arith.constant 0 : i32
    %dma_wait3A_59 = arith.constant 0 : i32
    %dma_wait3A_60 = arith.constant 0 : i32
    %dma_wait3A_61 = tpu.memref_slice %arg8[%dma_wait3A, %dma_wait3A_59, %dma_wait3A_60] : memref<4x200x64xf32, #tpu.memory_space<vmem>> -> memref<1x200x64xf32, #tpu.memory_space<vmem>>
    %dma_wait3A_62 = tpu.memref_squeeze %dma_wait3A_61 : memref<1x200x64xf32, #tpu.memory_space<vmem>> -> memref<200x64xf32, #tpu.memory_space<vmem>>
    %dma_wait3A_63 = arith.constant 0 : i32
    %dma_wait3A_64 = arith.constant 0 : i32
    %dma_wait3A_65 = tpu.memref_slice %arg5[%add3A_58, %dma_wait3A_63, %dma_wait3A_64] : memref<4096x200x64xf32, #tpu.memory_space<hbm>> -> memref<1x200x64xf32, #tpu.memory_space<hbm>>
    %dma_wait3A_66 = tpu.memref_squeeze %dma_wait3A_65 : memref<1x200x64xf32, #tpu.memory_space<hbm>> -> memref<200x64xf32, #tpu.memory_space<hbm>>
    %dma_wait3A_67 = arith.constant 0 : i32
    %dma_wait3A_68 = arith.constant 0 : i32
    %dma_wait3A_69 = tpu.memref_slice %arg5[%add3A_58, %dma_wait3A_67, %dma_wait3A_68] : memref<4096x200x64xf32, #tpu.memory_space<hbm>> -> memref<1x200x64xf32, #tpu.memory_space<hbm>>
    %dma_wait3A_70 = tpu.memref_squeeze %dma_wait3A_69 : memref<1x200x64xf32, #tpu.memory_space<hbm>> -> memref<200x64xf32, #tpu.memory_space<hbm>>
    %dma_wait3A_71 = arith.constant 0 : i32
    %dma_wait3A_72 = arith.constant 0 : i32
    %dma_wait3A_73 = tpu.memref_slice %arg8[%dma_wait3A, %dma_wait3A_71, %dma_wait3A_72] : memref<4x200x64xf32, #tpu.memory_space<vmem>> -> memref<1x200x64xf32, #tpu.memory_space<vmem>>
    %dma_wait3A_74 = tpu.memref_squeeze %dma_wait3A_73 : memref<1x200x64xf32, #tpu.memory_space<vmem>> -> memref<200x64xf32, #tpu.memory_space<vmem>>
    tpu.wait_dma2 semaphore(%arg13 : memref<!tpu.dma_semaphore, #tpu.memory_space<semaphore_mem>>) src(%dma_wait3A_74 : memref<200x64xf32, #tpu.memory_space<vmem>>) dst(%dma_wait3A_70 : memref<200x64xf32, #tpu.memory_space<hbm>>)
    %add3A_75 = arith.constant 125 : i32
    %add3A_76 = arith.addi %mul3A_2, %add3A_75 : i32
    %dma_wait3A_77 = arith.constant 1 : i32
    %dma_wait3A_78 = arith.constant 0 : i32
    %dma_wait3A_79 = arith.constant 0 : i32
    %dma_wait3A_80 = tpu.memref_slice %arg8[%dma_wait3A_77, %dma_wait3A_78, %dma_wait3A_79] : memref<4x200x64xf32, #tpu.memory_space<vmem>> -> memref<1x200x64xf32, #tpu.memory_space<vmem>>
    %dma_wait3A_81 = tpu.memref_squeeze %dma_wait3A_80 : memref<1x200x64xf32, #tpu.memory_space<vmem>> -> memref<200x64xf32, #tpu.memory_space<vmem>>
    %dma_wait3A_82 = arith.constant 0 : i32
    %dma_wait3A_83 = arith.constant 0 : i32
    %dma_wait3A_84 = tpu.memref_slice %arg5[%add3A_76, %dma_wait3A_82, %dma_wait3A_83] : memref<4096x200x64xf32, #tpu.memory_space<hbm>> -> memref<1x200x64xf32, #tpu.memory_space<hbm>>
    %dma_wait3A_85 = tpu.memref_squeeze %dma_wait3A_84 : memref<1x200x64xf32, #tpu.memory_space<hbm>> -> memref<200x64xf32, #tpu.memory_space<hbm>>
    %dma_wait3A_86 = arith.constant 0 : i32
    %dma_wait3A_87 = arith.constant 0 : i32
    %dma_wait3A_88 = tpu.memref_slice %arg5[%add3A_76, %dma_wait3A_86, %dma_wait3A_87] : memref<4096x200x64xf32, #tpu.memory_space<hbm>> -> memref<1x200x64xf32, #tpu.memory_space<hbm>>
    %dma_wait3A_89 = tpu.memref_squeeze %dma_wait3A_88 : memref<1x200x64xf32, #tpu.memory_space<hbm>> -> memref<200x64xf32, #tpu.memory_space<hbm>>
    %dma_wait3A_90 = arith.constant 0 : i32
    %dma_wait3A_91 = arith.constant 0 : i32
    %dma_wait3A_92 = tpu.memref_slice %arg8[%dma_wait3A_77, %dma_wait3A_90, %dma_wait3A_91] : memref<4x200x64xf32, #tpu.memory_space<vmem>> -> memref<1x200x64xf32, #tpu.memory_space<vmem>>
    %dma_wait3A_93 = tpu.memref_squeeze %dma_wait3A_92 : memref<1x200x64xf32, #tpu.memory_space<vmem>> -> memref<200x64xf32, #tpu.memory_space<vmem>>
    tpu.wait_dma2 semaphore(%arg14 : memref<!tpu.dma_semaphore, #tpu.memory_space<semaphore_mem>>) src(%dma_wait3A_93 : memref<200x64xf32, #tpu.memory_space<vmem>>) dst(%dma_wait3A_89 : memref<200x64xf32, #tpu.memory_space<hbm>>)
    %add3A_94 = arith.constant 126 : i32
    %add3A_95 = arith.addi %mul3A_2, %add3A_94 : i32
    %dma_wait3A_96 = arith.constant 2 : i32
    %dma_wait3A_97 = arith.constant 0 : i32
    %dma_wait3A_98 = arith.constant 0 : i32
    %dma_wait3A_99 = tpu.memref_slice %arg8[%dma_wait3A_96, %dma_wait3A_97, %dma_wait3A_98] : memref<4x200x64xf32, #tpu.memory_space<vmem>> -> memref<1x200x64xf32, #tpu.memory_space<vmem>>
    %dma_wait3A_100 = tpu.memref_squeeze %dma_wait3A_99 : memref<1x200x64xf32, #tpu.memory_space<vmem>> -> memref<200x64xf32, #tpu.memory_space<vmem>>
    %dma_wait3A_101 = arith.constant 0 : i32
    %dma_wait3A_102 = arith.constant 0 : i32
    %dma_wait3A_103 = tpu.memref_slice %arg5[%add3A_95, %dma_wait3A_101, %dma_wait3A_102] : memref<4096x200x64xf32, #tpu.memory_space<hbm>> -> memref<1x200x64xf32, #tpu.memory_space<hbm>>
    %dma_wait3A_104 = tpu.memref_squeeze %dma_wait3A_103 : memref<1x200x64xf32, #tpu.memory_space<hbm>> -> memref<200x64xf32, #tpu.memory_space<hbm>>
    %dma_wait3A_105 = arith.constant 0 : i32
    %dma_wait3A_106 = arith.constant 0 : i32
    %dma_wait3A_107 = tpu.memref_slice %arg5[%add3A_95, %dma_wait3A_105, %dma_wait3A_106] : memref<4096x200x64xf32, #tpu.memory_space<hbm>> -> memref<1x200x64xf32, #tpu.memory_space<hbm>>
    %dma_wait3A_108 = tpu.memref_squeeze %dma_wait3A_107 : memref<1x200x64xf32, #tpu.memory_space<hbm>> -> memref<200x64xf32, #tpu.memory_space<hbm>>
    %dma_wait3A_109 = arith.constant 0 : i32
    %dma_wait3A_110 = arith.constant 0 : i32
    %dma_wait3A_111 = tpu.memref_slice %arg8[%dma_wait3A_96, %dma_wait3A_109, %dma_wait3A_110] : memref<4x200x64xf32, #tpu.memory_space<vmem>> -> memref<1x200x64xf32, #tpu.memory_space<vmem>>
    %dma_wait3A_112 = tpu.memref_squeeze %dma_wait3A_111 : memref<1x200x64xf32, #tpu.memory_space<vmem>> -> memref<200x64xf32, #tpu.memory_space<vmem>>
    tpu.wait_dma2 semaphore(%arg15 : memref<!tpu.dma_semaphore, #tpu.memory_space<semaphore_mem>>) src(%dma_wait3A_112 : memref<200x64xf32, #tpu.memory_space<vmem>>) dst(%dma_wait3A_108 : memref<200x64xf32, #tpu.memory_space<hbm>>)
    %add3A_113 = arith.constant 127 : i32
    %add3A_114 = arith.addi %mul3A_2, %add3A_113 : i32
    %dma_wait3A_115 = arith.constant 3 : i32
    %dma_wait3A_116 = arith.constant 0 : i32
    %dma_wait3A_117 = arith.constant 0 : i32
    %dma_wait3A_118 = tpu.memref_slice %arg8[%dma_wait3A_115, %dma_wait3A_116, %dma_wait3A_117] : memref<4x200x64xf32, #tpu.memory_space<vmem>> -> memref<1x200x64xf32, #tpu.memory_space<vmem>>
    %dma_wait3A_119 = tpu.memref_squeeze %dma_wait3A_118 : memref<1x200x64xf32, #tpu.memory_space<vmem>> -> memref<200x64xf32, #tpu.memory_space<vmem>>
    %dma_wait3A_120 = arith.constant 0 : i32
    %dma_wait3A_121 = arith.constant 0 : i32
    %dma_wait3A_122 = tpu.memref_slice %arg5[%add3A_114, %dma_wait3A_120, %dma_wait3A_121] : memref<4096x200x64xf32, #tpu.memory_space<hbm>> -> memref<1x200x64xf32, #tpu.memory_space<hbm>>
    %dma_wait3A_123 = tpu.memref_squeeze %dma_wait3A_122 : memref<1x200x64xf32, #tpu.memory_space<hbm>> -> memref<200x64xf32, #tpu.memory_space<hbm>>
    %dma_wait3A_124 = arith.constant 0 : i32
    %dma_wait3A_125 = arith.constant 0 : i32
    %dma_wait3A_126 = tpu.memref_slice %arg5[%add3A_114, %dma_wait3A_124, %dma_wait3A_125] : memref<4096x200x64xf32, #tpu.memory_space<hbm>> -> memref<1x200x64xf32, #tpu.memory_space<hbm>>
    %dma_wait3A_127 = tpu.memref_squeeze %dma_wait3A_126 : memref<1x200x64xf32, #tpu.memory_space<hbm>> -> memref<200x64xf32, #tpu.memory_space<hbm>>
    %dma_wait3A_128 = arith.constant 0 : i32
    %dma_wait3A_129 = arith.constant 0 : i32
    %dma_wait3A_130 = tpu.memref_slice %arg8[%dma_wait3A_115, %dma_wait3A_128, %dma_wait3A_129] : memref<4x200x64xf32, #tpu.memory_space<vmem>> -> memref<1x200x64xf32, #tpu.memory_space<vmem>>
    %dma_wait3A_131 = tpu.memref_squeeze %dma_wait3A_130 : memref<1x200x64xf32, #tpu.memory_space<vmem>> -> memref<200x64xf32, #tpu.memory_space<vmem>>
    tpu.wait_dma2 semaphore(%arg16 : memref<!tpu.dma_semaphore, #tpu.memory_space<semaphore_mem>>) src(%dma_wait3A_131 : memref<200x64xf32, #tpu.memory_space<vmem>>) dst(%dma_wait3A_127 : memref<200x64xf32, #tpu.memory_space<hbm>>)
    return
  }
}

module attributes {stable_mosaic.version = 14 : i64} {
  func.func @_tc_transpose(%arg0: i32, %arg1: memref<12800x128xf32, #tpu.memory_space<vmem>>, %arg2: memref<200x8x1x8x128xf32, #tpu.memory_space<vmem>>) attributes {dimension_semantics = [#tpu.dimension_semantics<arbitrary>], iteration_bounds = array<i64: 32>, scalar_prefetch = 0 : i64, scratch_operands = 0 : i64, tpu.core_type = #tpu.core_type<tc>, window_params = [{transform_indices = @transform_0, window_bounds = array<i64: 12800, 128>}, {transform_indices = @transform_1, window_bounds = array<i64: 200, 8, 1, 8, 128>}]} {
    %get3A = arith.constant 0 : index
    %get3A_0 = arith.constant 0 : index
    %get3A_1 = vector.load %arg1[%get3A, %get3A_0] : memref<12800x128xf32, #tpu.memory_space<vmem>>, vector<12800x128xf32>
    %reshape3A = vector.shape_cast %get3A_1 : vector<12800x128xf32> to vector<128x12800xf32>
    %transpose3A = tpu.transpose %reshape3A, [1, 0] : vector<128x12800xf32> -> vector<12800x128xf32>
    %reshape3A_2 = vector.shape_cast %transpose3A : vector<12800x128xf32> to vector<200x8x1x8x128xf32>
    %swap3A = arith.constant 0 : index
    %swap3A_3 = arith.constant 0 : index
    %swap3A_4 = arith.constant 0 : index
    %swap3A_5 = arith.constant 0 : index
    %swap3A_6 = arith.constant 0 : index
    %swap3A_7 = vector.load %arg2[%swap3A, %swap3A_3, %swap3A_4, %swap3A_5, %swap3A_6] : memref<200x8x1x8x128xf32, #tpu.memory_space<vmem>>, vector<200x8x1x8x128xf32>
    tpu.vector_store %arg2[%swap3A, %swap3A_3, %swap3A_4, %swap3A_5, %swap3A_6], %reshape3A_2 {strides = array<i32>} : memref<200x8x1x8x128xf32, #tpu.memory_space<vmem>>, vector<200x8x1x8x128xf32>,
    return
  }
  func.func @transform_0(%arg0: i32) -> (i32, i32) {
    %c0_i32 = arith.constant 0 : i32
    %c0_i32_0 = arith.constant 0 : i32
    return %arg0, %c0_i32 : i32, i32
  }
  func.func @transform_1(%arg0: i32) -> (i32, i32, i32, i32, i32) {
    %c0_i32 = arith.constant 0 : i32
    %c0_i32_0 = arith.constant 0 : i32
    %c0_i32_1 = arith.constant 0 : i32
    %c0_i32_2 = arith.constant 0 : i32
    %c0_i32_3 = arith.constant 0 : i32
    return %c0_i32, %c0_i32_0, %arg0, %c0_i32_1, %c0_i32_2 : i32, i32, i32, i32, i32
  }
}

</mosaic_0001>

<sc_bundles>
// kernel: _embed.4.cloned.1.call-start
scs
__scs_entry_jumppad:
0x0: {  	(pc) =	sbr.rel $0x88, $3  }
0x1: {  	(tag) =	ssettag $0x0;
	lr =	simm.s32 $0x1  }
0x2: {  	[smem:$0x3F9F] =	sst lr;
	_ =	strace $0xD0000000  }
0x3: {  	_ = 	snop  }
0x4: {  	_ = 	snop  }
0x5: {  	_ = 	snop  }
0x6: {  	_ = 	snop  }
0x7: {  	_ = 	snop  }
__scs_overlays_trampoline_lowered:
0x8: {  	[smem:$0x3FAE] =	sst s0  }
0x9: {  	[smem:$0x3FAF] =	sst s1  }
0xa: {  	[smem:$0x3FB0] =	sst s2  }
0xb: {  	[smem:$0x3FB1] =	sst s3  }
0xc: {  	[smem:$0x3FB2] =	sst s4  }
0xd: {  	[smem:$0x3FB3] =	sst s5  }
0xe: {  	[smem:$0x3FB4] =	sst s6  }
0xf: {  	[smem:$0x3FB5] =	sst s7  }
0x10: {  	[smem:$0x3FB6] =	sst s8  }
0x11: {  	[smem:$0x3FB7] =	sst s9;
	s0 =	simm.s32 @!p0 $0x0  }
0x12: {  	s1 =	sld [smem:$0x3F9D];
	s0 =	simm.s32 @p0 $0x1  }
0x13: {  	[smem:$0x3FB8] =	sst s0;
	s0 =	simm.s32 @!p1 $0x0  }
0x14: {  	s2 =	sld [smem:$0x3F9C];
	s0 =	simm.s32 @p1 $0x1  }
0x15: {  	[smem:$0x3FB9] =	sst s0;
	s0 =	simm.s32 @!p2 $0x0  }
0x16: {  	s3 =	sld [smem:$0x3FDB];
	s0 =	simm.s32 @p2 $0x1  }
0x17: {  	s4 =	simm.s32 $0x1BF5;
	[smem:$0x3FBB] =	sst s0  }
0x18: {  	s0 =	sld [smem:$0x3F9E];
	_ =	swait.ge [sflag:s4], $0x0  }
0x19: {  	s7 =	sld [smem:$0x3F9F]  }
0x1a: {  	s8 =	sadd.s32 $0xFFFFE003, lr  }
0x1b: {  	s9 =	sadd.s32 $0xFFFFFEF7, lr;
	s5 =	simm.s32 $0xFFFFFFFF;
	p2 =	slt.u32 s8, $0xFFFFF086  }
0x1c: {  	p1 =	slt.u32 s9, $0xF7A;
	s5 =	simm.s32 @!p2 $0x0  }
0x1d: {  	s5 =	simm.s32 @p1 $0x1;
	p0 =	seq.s32 s7, s2  }
0x1e: {  	s7 =	smul.u32 @!p0 $0xF7A, s2;
	p2 =	seq.s32 @!p0 s5, $0x0  }
0x1f: {  	s9 =	smul.u32 $0xF7A, s1;
	s8 =	simm.s32 @!p0 $0x1BF5;
	p2 =	por !p2, p0  }
0x20: {  	[sflag:s8] =	ssyncset.s32 @!p0 $0xFFFFF086;
	s6 =	sadd.s32 @!p0 s3, s7;
	s7 =	simm.s32 @!p0 $0x108  }
0x21: {  	s3 =	sadd.s32 s3, s9;
	s6 =	sadd.s32 @!p0 $0x88, s6;
	s7 =	simm.s32 @p2 $0x1082  }
0x22: {  	[simem:s7], [sflag:s8] =	dma.local @!p0 [hbm:s6], $0xF7A  }
0x23: {  	s9 =	sor.u32 $0xD0000000, s2;
	s6 =	simm.s32 $0x108;
	_ =	swait.ge @!p0 [sflag:s8], $0x0  }
0x24: {  	s3 =	sadd.s32 $0x88, s3;
	s6 =	simm.s32 @!p1 $0x1082;
	[sflag:s4] =	ssyncset.s32 $0xFFFFF086  }
0x25: {  	[simem:s6], [sflag:s4] =	dma.local [hbm:s3], $0xF7A  }
0x26: {  	[smem:$0x3F9F] =	sst s1;
	(tag) =	ssettag s2;
	_ =	strace s9  }
0x27: {  	s1 =	sld [smem:$0x3FAF]  }
0x28: {  	s2 =	sld [smem:$0x3FB0]  }
0x29: {  	s4 =	sld [smem:$0x3FB2]  }
0x2a: {  	p0 =	seq.s32 s5, $0x0;
	s5 =	sld [smem:$0x3FB3]  }
0x2b: {  	s6 =	sld [smem:$0x3FB4]  }
0x2c: {  	s7 =	sld [smem:$0x3FB5]  }
0x2d: {  	s3 =	simm.s32 $0x108;
	s8 =	sld [smem:$0x3FB6]  }
0x2e: {  	s3 =	simm.s32 @!p0 $0x1082;
	s9 =	sld [smem:$0x3FB7]  }
0x2f: {  	lr =	sadd.s32 s0, s3;
	s0 =	sld [smem:$0x3FAE]  }
0x30: {  	s3 =	sld [smem:$0x3FB1]  }
0x31: {  	[smem:$0x3FBA] =	sst s10  }
0x32: {  	s10 =	sld [smem:$0x3FB8];
	_ =	sdelay $0x3  }
0x33: {  	p0 =	seq.s32 s10, $0x1;
	s10 =	sld [smem:$0x3FBA];
	_ =	sdelay $0x3  }
0x34: {  	[smem:$0x3FBA] =	sst s10  }
0x35: {  	s10 =	sld [smem:$0x3FB9];
	_ =	sdelay $0x3  }
0x36: {  	p1 =	seq.s32 s10, $0x1;
	s10 =	sld [smem:$0x3FBA];
	_ =	sdelay $0x3  }
0x37: {  	[smem:$0x3FBA] =	sst s10  }
0x38: {  	s10 =	sld [smem:$0x3FBB]  }
0x39: {  	_ = 	snop;
	(pc) =	sbr.ind lr, $3  }
0x3a: {  	_ = 	snop  }
0x3b: {  	_ = 	snop  }
0x3c: {  	p2 =	seq.s32 s10, $0x1;
	s10 =	sld [smem:$0x3FBA]  }
0x3d: {  	_ =	shalt  }
0x3e: {  	_ =	shalt  }
0x3f: {  	_ =	shalt  }
0x40: {  	_ =	shalt  }
0x41: {  	_ =	shalt  }
0x42: {  	_ =	shalt  }
0x43: {  	_ =	shalt  }
0x44: {  	_ =	shalt  }
0x45: {  	_ =	shalt  }
0x46: {  	_ =	shalt  }
0x47: {  	_ =	shalt  }
0x48: {  	_ =	shalt  }
0x49: {  	_ =	shalt  }
0x4a: {  	_ =	shalt  }
0x4b: {  	_ =	shalt  }
0x4c: {  	_ =	shalt  }
0x4d: {  	_ =	shalt  }
0x4e: {  	_ =	shalt  }
0x4f: {  	_ =	shalt  }
0x50: {  	_ =	shalt  }
0x51: {  	_ =	shalt  }
0x52: {  	_ =	shalt  }
0x53: {  	_ =	shalt  }
0x54: {  	_ =	shalt  }
0x55: {  	_ =	shalt  }
0x56: {  	_ =	shalt  }
0x57: {  	_ =	shalt  }
0x58: {  	_ =	shalt  }
0x59: {  	_ =	shalt  }
0x5a: {  	_ =	shalt  }
0x5b: {  	_ =	shalt  }
0x5c: {  	_ =	shalt  }
0x5d: {  	_ =	shalt  }
0x5e: {  	_ =	shalt  }
0x5f: {  	_ =	shalt  }
0x60: {  	_ =	shalt  }
0x61: {  	_ =	shalt  }
0x62: {  	_ =	shalt  }
0x63: {  	_ =	shalt  }
0x64: {  	_ =	shalt  }
0x65: {  	_ =	shalt  }
0x66: {  	_ =	shalt  }
0x67: {  	_ =	shalt  }
0x68: {  	_ =	shalt  }
0x69: {  	_ =	shalt  }
0x6a: {  	_ =	shalt  }
0x6b: {  	_ =	shalt  }
0x6c: {  	_ =	shalt  }
0x6d: {  	_ =	shalt  }
0x6e: {  	_ =	shalt  }
0x6f: {  	_ =	shalt  }
0x70: {  	_ =	shalt  }
0x71: {  	_ =	shalt  }
0x72: {  	_ =	shalt  }
0x73: {  	_ =	shalt  }
0x74: {  	_ =	shalt  }
0x75: {  	_ =	shalt  }
0x76: {  	_ =	shalt  }
0x77: {  	_ =	shalt  }
0x78: {  	_ =	shalt  }
0x79: {  	_ =	shalt  }
0x7a: {  	_ =	shalt  }
0x7b: {  	_ =	shalt  }
0x7c: {  	_ =	shalt  }
0x7d: {  	_ =	shalt  }
0x7e: {  	_ =	shalt  }
0x7f: {  	_ =	shalt  }
0x80: {  	_ =	shalt  }
0x81: {  	_ =	shalt  }
0x82: {  	_ =	shalt  }
0x83: {  	_ =	shalt  }
0x84: {  	_ =	shalt  }
0x85: {  	_ =	shalt  }
0x86: {  	_ =	shalt  }
0x87: {  	_ =	shalt  }
.Lfunc_end0:
.L_simem_size_0:
called_computation_lowered:
.L_overlay_start_0:
0x88: {  	s2 =	sld [smem:$0x3FD9]  }
0x89: {  	s3 =	sld [smem:$0x3FFE];
	_ =	sdelay $0x1  }
0x8a: {  	s1 =	srdreg.scid  }
0x8b: {  	s0 =	sand.u32 $0x1, s1  }
0x8c: {  	s16 =	sshll.u32 s0, $0xA;
	s2 =	sadd.s32 s3, s2  }
0x8d: {  	s2 =	sadd.s32 s2, s16  }
0x8e: {  	[smem:$0x3FC6] =	sst s2  }
0x8f: {  	_ = 	snop  }
0x90: {  	(tm) =	ssettm $0x1  }
0x91: {  	s17 =	sld [smem:$0x3FFB];
	_ =	sdelay $0x3  }
0x92: {  	_ =	strace s17  }
0x93: {  	s2 =	sld [smem:$0x3FFC];
	_ =	sdelay $0x3  }
0x94: {  	_ =	strace s2  }
0x95: {  	s2 =	sld [smem:$0x3FFD];
	_ =	sdelay $0x3  }
0x96: {  	_ =	strace s2  }
0x97: {  	_ =	strace $0x8FFFFFFF  }
0x98: {  	s18 =	sld [smem:$0x3FDB];
	_ =	sdelay $0x1  }
0x99: {  	s19 =	simm.s32 $_scs_section_size  }
0x9a: {  	s4 =	simm.s32 $_size__tile_overlayer_lowered;
	s5 =	simm.s32 $_tile_overlayer_lowered  }
0x9b: {  	s22 =	simm.s32 $0x1BFF;
	s21 =	sshll.u32 s5, $0x1;
	s2 =	sadd.s32 s19, s18  }
0x9c: {  	s6 =	simm.s32 $0x0;
	s20 =	sshll.u32 s4, $0x1;
	s4 =	sadd.s32 s21, s2  }
0x9d: {  	[timem:s6], [sflag:s22] =	dma.local [hbm:s4], s20  }
0x9e: {  	_ =	swait.ge [sflag:s22], s20  }
0x9f: {  	s3 =	ssub.s32 $0x0, s20;
	[sflag:s22] =	ssyncset.done $0x0  }
0xa0: {  	[sflag:s22] =	ssyncadd.s32 s3;
	_ =	sdelay $0x1  }
0xa1: {  	s23 =	simm.s32 $0x1B8B  }
0xa2: {  	_ =	swait.ge [sflag:s23], $0x1  }
0xa3: {  	[sflag:s23] =	ssyncset.done $0x0  }
0xa4: {  	s25 =	simm.s32 $0x1B8E;
	s24 =	sld [smem:$0x3FFE];
	[sflag:s23] =	ssyncadd.s32 $0xFFFFFFFF  }
0xa5: {  	s26 =	simm.s32 $execute0_lowered;
	[smem:$0x3FD2] =	sst s25  }
0xa6: {  	s4 =	sshll.u32 s26, $0x1;
	_ =	strace $0x80000046;
	[dreg:$0x1] =	wrdreg $0xFFFFFFFF  }
0xa7: {  	s28 =	simm.s32 $_size_execute0_lowered;
	s2 =	sadd.s32 s2, s4;
	[dreg:$0x0] =	wrdreg $0x0  }
0xa8: {  	s4 =	sshll.u32 s28, $0x1;
	[dreg:$0x2] =	wrdreg s2  }
0xa9: {  	[dreg:$0x3] =	wrdreg s4  }
0xaa: {  	[dreg:$0x4] =	wrdreg $0xC0  }
0xab: {  	_ =	task [dreg:s6], $0x5FFFF  }
0xac: {  	[dreg:$0x1] =	wrdreg $0xFFFFFFFF  }
0xad: {  	[dreg:$0x0] =	wrdreg $0x60  }
0xae: {  	[dreg:$0x2] =	wrdreg s24  }
0xaf: {  	[dreg:$0x3] =	wrdreg $0x9  }
0xb0: {  	_ =	task.clear_ibuf [dreg:s6], $0x4FFFF;
	_ =	strace $0x90000046  }
0xb1: {  	s29 =	simm.s32 $0x9;
	_ =	strace $0x80000048  }
0xb2: {  	_ =	swait.ge [sflag:s29], $0x1  }
0xb3: {  	[sflag:s29] =	ssyncadd.s32 $0xFFFFFFFF  }
0xb4: {  	_ =	strace $0x90000048  }
0xb5: {  	_ =	sfence  }
0xb6: {  	s30 =	sld [smem:$0x0];
	_ =	sdelay $0x2  }
0xb7: {  	s31 =	sshll.u32 s1, $0xD;
	s1 =	sshrl.u32 s1, $0x2  }
0xb8: {  	s3 =	sand.u32 $0x4000, s31;
	s1 =	sadd.s32 s1, s30  }
0xb9: {  	s0 =	sor.u32 s3, s0;
	s1 =	sshll.u32 s1, $0x11  }
0xba: {  	s0 =	sor.u32 s1, s0  }
0xbb: {  	s0 =	sadd.s32 $0x8F2B, s0  }
0xbc: {  	[sflag:s0] =	ssyncadd.remote.s32 $0x1  }
0xbd: {  	_ =	sfence.sel $0xFFFF  }
0xbe: {  	[dreg:$0x0] =	wrdreg $0xFFFFFFFF;
	(pc) =	sbr.abs _section_cstart, $3  }
0xbf: {  	[dreg:$0x1] =	wrdreg $0xFFFFFFFF  }
0xc0: {  	_ =	task.clear_ibuf [dreg:s6], $0x2FFFF;
	_ =	strace $0x9FFFFFFF  }
0xc1: {  	(tm) =	ssettm $0x7FFFFFFF  }
tec
execute0_lowered:
.L_overlay_start_1:
0x0: {  	(tag) =	ssettag $0x1  }
0x1: {  	s0 =	srdreg.scid  }
0x2: {  	s2 =	stileid.u32;
	s1 =	rddreg [dreg:$0x0];
	s10 =	simm.s32 $0x9  }
0x3: {  	s11 =	simm.s32 $0x80;
	s12 =	simm.s32 $0x9600;
	s13 =	simm.s32 $0x48  }
0x4: {  	s16 =	simm.s32 $0xC800;
	s19 =	simm.s32 $0xFA00;
	s20 =	simm.s32 $0x11A00  }
0x5: {  	s21 =	simm.s32 $0x1;
	s22 =	simm.s32 $0x12C00;
	s23 =	simm.s32 $0x14C00  }
0x6: {  	s24 =	simm.s32 $0x2;
	s25 =	simm.s32 $0x3;
	s26 =	simm.s32 $0x4  }
0x7: {  	s29 =	simm.s32 $0x6;
	s30 =	simm.s32 $0x7;
	s0 =	sand.u32 $0x1, s0  }
0x8: {  	s31 =	simm.s32 $0x8;
	s3 =	sshll.u32 s2, $0x8;
	s4 =	sshll.u32 s0, $0x7  }
0x9: {  	s2 =	simm.s32 $0x0;
	s0 =	ssub.s32 $0x2, s0;
	s3 =	sor.u32 s4, s3  }
0xa: {  	[smem:$0x7FF] =	sst s2;
	s7 =	sshrl.u32 s0, $0x1;
	s5 =	smul.u32 $0x19, s3  }
0xb: {  	s6 =	sadd.s32 $0x400, s1;
	_ =	strace $0x80000047;
	s0 =	ssub.s32 s0, s7  }
0xc: {  	[dreg:$0x2] =	wrdreg s6;
	s0 =	smax.u32 s0, $0x1;
	s5 =	sadd.s32 s5, s1  }
0xd: {  	s4 =	sadd.s32 $0x19C00, s1;
	[dreg:$0x4] =	wrdreg s0;
	s28 =	sadd.s32 $0xC00, s5  }
0xe: {  	s6 =	sadd.s32 $0xDD200, s1;
	s1 =	simm.s32 $0x0;
	[dreg:$0x3] =	wrdreg s28  }
.LBB2_1:
0xf: {  	s0 =	rddreg [dreg:$0x2];
	s5 =	simm.s32 $0x6400  }
0x10: {  	[tilespmem:s5], [sflag:$0x9] =	stream.linear.gather [hbm4b:s0+s2], $0x3200, $0x38;
	[tilespmem:$0x15E00] =	vst v63  }
0x11: {  	_ =	swait.ge [sflag:s10], $0x3200  }
0x12: {  	[sflag:s10] =	ssyncset.done $0x0  }
0x13: {  	s14 =	rddreg [dreg:$0x3];
	[sflag:s10] =	ssyncadd.s32 $0xFFFFCE00  }
0x14: {  	[tilespmem:s2], [sflag:$0x9] =	stream.linear.gather [hbm4b:s14+s2], $0x6400, $0x38;
	[tilespmem:$0x15E00] =	vst v63  }
0x15: {  	_ =	swait.ge [sflag:s10], $0x6400  }
0x16: {  	[sflag:s10] =	ssyncset.done $0x0  }
0x17: {  	[sflag:s10] =	ssyncadd.s32 $0xFFFF9C00  }
0x18: {  	[tilespmem:s12], [sflag:$0x1] =	stream.indirect.gather [hbm4b:s4+s11], $0x40, s2, s11, $0xb8;
	[tilespmem:$0x15E00] =	vst v63  }
0x19: {  	s15 =	simm.s32 $0xB600  }
0x1a: {  	[tilespmem:s15], [sflag:$0x1] =	stream.indirect.gather [hbm4b:s4+s13], $0x40, s11, s13, $0xb8;
	[tilespmem:$0x15E00] =	vst v63  }
0x1b: {  	s17 =	simm.s32 $0xC8  }
0x1c: {  	[tilespmem:s16], [sflag:$0x2] =	stream.indirect.gather [hbm4b:s4+s11], $0x40, s17, s11, $0xb8;
	[tilespmem:$0x15E00] =	vst v63  }
0x1d: {  	s18 =	simm.s32 $0x148;
	s28 =	simm.s32 $0xE800;
	s0 =	simm.s32 $0x0  }
0x1e: {  	[tilespmem:s28], [sflag:$0x2] =	stream.indirect.gather [hbm4b:s4+s13], $0x40, s18, s13, $0xb8;
	[tilespmem:$0x15E00] =	vst v63  }
.LBB2_2:
0x1f: {  	s15 =	sshll.u32 s0, $0x2;
	p0 =	seq.s32 s0, $0x0  }
0x20: {  	s9 =	sor.u32 $0x2, s15;
	s5 =	simm.s32 @!p0 $0x7  }
0x21: {  	_ =	swait.ge @!p0 [sflag:s5], $0x3200;
	s7 =	smul.u32 $0x320, s9  }
0x22: {  	[sflag:s5] =	ssyncset.done @!p0 $0x0  }
0x23: {  	[sflag:s5] =	ssyncadd.s32 @!p0 $0xFFFFCE00;
	s28 =	sshra.s32 s7, $0x2  }
0x24: {  	[tilespmem:s19], [sflag:$0x3] =	stream.indirect.gather [hbm4b:s4+s11], $0x40, s28, s11, $0xb8;
	[tilespmem:$0x15E00] =	vst v63  }
0x25: {  	s5 =	sadd.s32 $0x80, s28  }
0x26: {  	[tilespmem:s20], [sflag:$0x3] =	stream.indirect.gather [hbm4b:s4+s13], $0x40, s5, s13, $0xb8;
	[tilespmem:$0x15E00] =	vst v63  }
0x27: {  	_ =	swait.ge [sflag:s21], $0x2000  }
0x28: {  	[sflag:s21] =	ssyncset.done $0x0  }
0x29: {  	[sflag:s21] =	ssyncadd.s32 $0xFFFFE000  }
0x2a: {  	_ =	swait.ge [sflag:s21], $0x1200  }
0x2b: {  	[sflag:s21] =	ssyncset.done $0x0  }
0x2c: {  	s14 =	simm.s32 $0x9680;
	[sflag:s21] =	ssyncadd.s32 $0xFFFFEE00  }
0x2d: {  	v0 =	vld [tilespmem:s14+$0x40]  }
0x2e: {  	s18 =	simm.s32 $0x6480;
	v1 =	vld [tilespmem:s14+$0xFFFFFFC0]  }
0x2f: {  	v2 =	vld [tilespmem:s18+$0x40]  }
0x30: {  	v3 =	vld [tilespmem:s14+$0xFFFFFF80]  }
0x31: {  	v4 =	vld [tilespmem:s14+$0x0]  }
0x32: {  	v5 =	vld [tilespmem:s18+$0xFFFFFF80]  }
0x33: {  	v6 =	vld [tilespmem:s18+$0xFFFFFFC0]  }
0x34: {  	v7 =	vld [tilespmem:s18+$0x0]  }
0x35: {  	s17 =	simm.s32 $0x9780;
	v8 =	vld [tilespmem:s14+$0xFFFFFF90]  }
0x36: {  	s5 =	simm.s32 $0x6580;
	v10 =	vld [tilespmem:s17+$0xFFFFFFC0];
	v0 =	vmul.f32 $8.000000000e+00, v0  }
0x37: {  	v11 =	vld [tilespmem:s5+$0x40]  }
0x38: {  	v12 =	vld [tilespmem:s17+$0xFFFFFF80];
	v3 =	vmul.f32 $8.000000000e+00, v3;
	v1 =	vmul.f32 $8.000000000e+00, v1;
	v0 =	vadd.f32 v2, v0  }
0x39: {  	v2 =	vld [tilespmem:s14+$0x50]  }
0x3a: {  	v3 =	vadd.f32 v5, v3;
	v1 =	vadd.f32 v6, v1;
	v5 =	vld [tilespmem:s14+$0xFFFFFFD0];
	[tilespmem:s14+$0x40] =	vst v0  }
0x3b: {  	v4 =	vmul.f32 $8.000000000e+00, v4;
	v0 =	vld [tilespmem:s18+$0x50]  }
0x3c: {  	v6 =	vld [tilespmem:s14+$0x10];
	[tilespmem:s14+$0xFFFFFFC0] =	vst v1  }
0x3d: {  	[tilespmem:s14+$0xFFFFFF80] =	vst v3;
	v1 =	vadd.f32 v7, v4;
	v4 =	vld [tilespmem:s18+$0xFFFFFFD0]  }
0x3e: {  	v3 =	vld [tilespmem:s18+$0xFFFFFF90];
	v2 =	vmul.f32 $8.000000000e+00, v2  }
0x3f: {  	v13 =	vld [tilespmem:s17+$0x0];
	[tilespmem:s14+$0x0] =	vst v1  }
0x40: {  	v5 =	vmul.f32 $8.000000000e+00, v5;
	v0 =	vadd.f32 v0, v2;
	v2 =	vmul.f32 $8.000000000e+00, v8;
	v8 =	vld [tilespmem:s18+$0x10]  }
0x41: {  	v14 =	vld [tilespmem:s5+$0xFFFFFF80]  }
0x42: {  	v15 =	vld [tilespmem:s5+$0xFFFFFFC0];
	v4 =	vadd.f32 v4, v5  }
0x43: {  	v5 =	vmul.f32 $8.000000000e+00, v6;
	v2 =	vadd.f32 v3, v2;
	v3 =	vld [tilespmem:s14+$0xFFFFFFE0]  }
0x44: {  	v16 =	vld [tilespmem:s5+$0x0];
	[tilespmem:s14+$0xFFFFFFD0] =	vst v4  }
0x45: {  	v4 =	vadd.f32 v8, v5;
	v5 =	vld [tilespmem:s18+$0xFFFFFFE0]  }
0x46: {  	v17 =	vld [tilespmem:s17+$0xFFFFFF90]  }
0x47: {  	v54 =	vld [tilespmem:s17+$0xFFFFFFD0]  }
0x48: {  	v55 =	vld [tilespmem:s17+$0x10];
	v3 =	vmul.f32 $8.000000000e+00, v3  }
0x49: {  	v56 =	vld [tilespmem:s17+$0xFFFFFFA0];
	v12 =	vmul.f32 $8.000000000e+00, v12  }
0x4a: {  	v57 =	vld [tilespmem:s17+$0x60];
	v13 =	vmul.f32 $8.000000000e+00, v13;
	v3 =	vadd.f32 v5, v3  }
0x4b: {  	v60 =	vld [tilespmem:s17+$0xFFFFFFE0];
	v12 =	vadd.f32 v14, v12  }
0x4c: {  	v13 =	vadd.f32 v16, v13;
	[tilespmem:s14+$0xFFFFFFE0] =	vst v3;
	v3 =	vld [tilespmem:s17+$0x40]  }
0x4d: {  	v7 =	vld [tilespmem:s14+$0xFFFFFFA0];
	[tilespmem:s17+$0xFFFFFF80] =	vst v12  }
0x4e: {  	[tilespmem:s17+$0x0] =	vst v13;
	v12 =	vld [tilespmem:s5+$0xFFFFFF90]  }
0x4f: {  	v58 =	vld [tilespmem:s5+$0x10]  }
0x50: {  	v1 =	vld [tilespmem:s14+$0x60]  }
0x51: {  	v6 =	vld [tilespmem:s14+$0x20];
	[tilespmem:s14+$0x50] =	vst v0;
	v3 =	vmul.f32 $8.000000000e+00, v3  }
0x52: {  	v0 =	vld [tilespmem:s18+$0x60];
	[tilespmem:s14+$0xFFFFFF90] =	vst v2  }
0x53: {  	v2 =	vld [tilespmem:s18+$0xFFFFFFA0];
	v3 =	vadd.f32 v11, v3  }
0x54: {  	v11 =	vld [tilespmem:s17+$0x50]  }
0x55: {  	v1 =	vmul.f32 $8.000000000e+00, v1;
	v8 =	vld [tilespmem:s14+$0xFFFFFFB0];
	[tilespmem:s17+$0x40] =	vst v3  }
0x56: {  	v3 =	vmul.f32 $8.000000000e+00, v10;
	v10 =	vld [tilespmem:s5+$0x50]  }
0x57: {  	[tilespmem:s14+$0x10] =	vst v4;
	v4 =	vld [tilespmem:s14+$0x70];
	v0 =	vadd.f32 v0, v1;
	v1 =	vmul.f32 $8.000000000e+00, v7  }
0x58: {  	v7 =	vld [tilespmem:s18+$0x20];
	v3 =	vadd.f32 v15, v3  }
0x59: {  	v1 =	vadd.f32 v2, v1;
	v2 =	vld [tilespmem:s14+$0xFFFFFFF0];
	v11 =	vmul.f32 $8.000000000e+00, v11  }
0x5a: {  	v5 =	vld [tilespmem:s14+$0x30];
	[tilespmem:s17+$0xFFFFFFC0] =	vst v3  }
0x5b: {  	[tilespmem:s14+$0x60] =	vst v0;
	v3 =	vld [tilespmem:s5+$0xFFFFFFD0];
	v10 =	vadd.f32 v10, v11  }
0x5c: {  	v0 =	vld [tilespmem:s18+$0x70];
	[tilespmem:s14+$0xFFFFFFA0] =	vst v1  }
0x5d: {  	v1 =	vld [tilespmem:s18+$0xFFFFFFB0];
	v11 =	vmul.f32 $8.000000000e+00, v17;
	[tilespmem:s17+$0x50] =	vst v10  }
0x5e: {  	v10 =	vmul.f32 $8.000000000e+00, v54;
	v59 =	vld [tilespmem:s5+$0x60]  }
0x5f: {  	v9 =	vld [tilespmem:s18+$0xFFFFFFF0];
	v11 =	vadd.f32 v12, v11  }
0x60: {  	v15 =	vmul.f32 $8.000000000e+00, v55;
	v3 =	vadd.f32 v3, v10;
	v10 =	vld [tilespmem:s17+$0x20]  }
0x61: {  	v13 =	vmul.f32 $8.000000000e+00, v57;
	[tilespmem:s17+$0xFFFFFF90] =	vst v11;
	v11 =	vld [tilespmem:s17+$0xFFFFFFB0]  }
0x62: {  	v4 =	vmul.f32 $8.000000000e+00, v4;
	v61 =	vld [tilespmem:s5+$0xFFFFFFA0];
	[tilespmem:s17+$0xFFFFFFD0] =	vst v3;
	v3 =	vmul.f32 $8.000000000e+00, v6;
	v6 =	vadd.f32 v58, v15  }
0x63: {  	v62 =	vld [tilespmem:s5+$0xFFFFFFE0];
	v13 =	vadd.f32 v59, v13  }
0x64: {  	v0 =	vadd.f32 v0, v4;
	v3 =	vadd.f32 v7, v3;
	v7 =	vmul.f32 $8.000000000e+00, v8;
	[tilespmem:s17+$0x10] =	vst v6;
	v6 =	vld [tilespmem:s17+$0x70]  }
0x65: {  	v4 =	vmul.f32 $8.000000000e+00, v56;
	v8 =	vld [tilespmem:s5+$0x20];
	[tilespmem:s17+$0x60] =	vst v13  }
0x66: {  	[tilespmem:s14+$0x70] =	vst v0;
	v0 =	vmul.f32 $8.000000000e+00, v2;
	v1 =	vadd.f32 v1, v7;
	v7 =	vmul.f32 $8.000000000e+00, v60;
	v63 =	vld [tilespmem:s5+$0x70]  }
0x67: {  	[tilespmem:s14+$0x20] =	vst v3;
	v4 =	vadd.f32 v61, v4;
	v3 =	vld [tilespmem:s17+$0xFFFFFFF0]  }
0x68: {  	v2 =	vld [tilespmem:s17+$0x30];
	[tilespmem:s14+$0xFFFFFFB0] =	vst v1;
	v1 =	vadd.f32 v62, v7;
	v7 =	vadd.f32 v9, v0;
	v9 =	vmul.f32 $8.000000000e+00, v10  }
0x69: {  	[tilespmem:s17+$0xFFFFFFA0] =	vst v4;
	v4 =	vld [tilespmem:s18+$0x30];
	v10 =	vmul.f32 $8.000000000e+00, v6  }
0x6a: {  	v0 =	vmul.f32 $8.000000000e+00, v5;
	v5 =	vld [tilespmem:s5+$0xFFFFFFB0];
	[tilespmem:s17+$0xFFFFFFE0] =	vst v1;
	v8 =	vadd.f32 v8, v9  }
0x6b: {  	s8 =	simm.s32 $0x9880;
	s7 =	simm.s32 $0x4;
	s18 =	simm.s32 $0x6580;
	[tilespmem:s14+$0xFFFFFFF0] =	vst v7;
	v1 =	vmul.f32 $8.000000000e+00, v11;
	v6 =	vld [tilespmem:s5+$0xFFFFFFF0];
	v7 =	vadd.f32 v63, v10  }
.LBB2_3:
0x6c: {  	v9 =	vld [tilespmem:s8+$0x40];
	s7 =	sadd.s32 $0x4, s7;
	v3 =	vmul.f32 $8.000000000e+00, v3;
	[tilespmem:s17+$0x20] =	vst v8  }
0x6d: {  	s5 =	sadd.s32 $0x100, s5;
	v8 =	vld [tilespmem:s8+$0xFFFFFFC0];
	p1 =	slt.u32 s7, $0xC4;
	v2 =	vmul.f32 $8.000000000e+00, v2;
	[tilespmem:s17+$0x70] =	vst v7  }
0x6e: {  	v7 =	vld [tilespmem:s5+$0x40];
	v4 =	vadd.f32 v4, v0  }
0x6f: {  	v10 =	vld [tilespmem:s8+$0x0];
	v1 =	vadd.f32 v5, v1;
	v0 =	vmov v2  }
0x70: {  	v2 =	vld [tilespmem:s8+$0xFFFFFF80];
	v3 =	vadd.f32 v6, v3;
	[tilespmem:s14+$0x30] =	vst v4;
	s14 =	smov.u32 s17;
	s17 =	smov.u32 s8  }
0x71: {  	v4 =	vld [tilespmem:s5+$0xFFFFFF80];
	v5 =	vmul.f32 $8.000000000e+00, v9;
	[tilespmem:s14+$0xFFFFFFB0] =	vst v1  }
0x72: {  	v1 =	vmul.f32 $8.000000000e+00, v8;
	v6 =	vld [tilespmem:s5+$0xFFFFFFC0];
	[tilespmem:s14+$0xFFFFFFF0] =	vst v3  }
0x73: {  	v3 =	vld [tilespmem:s5+$0x0];
	v5 =	vadd.f32 v7, v5  }
0x74: {  	v7 =	vmul.f32 $8.000000000e+00, v10;
	v8 =	vld [tilespmem:s8+$0x50]  }
0x75: {  	v2 =	vmul.f32 $8.000000000e+00, v2;
	v9 =	vld [tilespmem:s8+$0xFFFFFF90];
	[tilespmem:s8+$0x40] =	vst v5  }
0x76: {  	v5 =	vld [tilespmem:s5+$0x50]  }
0x77: {  	v2 =	vadd.f32 v4, v2;
	v1 =	vadd.f32 v6, v1;
	v4 =	vld [tilespmem:s8+$0xFFFFFFD0]  }
0x78: {  	v3 =	vadd.f32 v3, v7;
	v6 =	vld [tilespmem:s8+$0x10]  }
0x79: {  	[tilespmem:s8+$0xFFFFFF80] =	vst v2;
	v2 =	vld [tilespmem:s8+$0xFFFFFFA0];
	v7 =	vmul.f32 $8.000000000e+00, v8  }
0x7a: {  	v8 =	vmul.f32 $8.000000000e+00, v9;
	v9 =	vld [tilespmem:s5+$0xFFFFFF90];
	[tilespmem:s8+$0xFFFFFFC0] =	vst v1  }
0x7b: {  	v1 =	vld [tilespmem:s5+$0xFFFFFFD0];
	[tilespmem:s8+$0x0] =	vst v3;
	v3 =	vadd.f32 v5, v7  }
0x7c: {  	v4 =	vmul.f32 $8.000000000e+00, v4;
	v5 =	vld [tilespmem:s8+$0x60]  }
0x7d: {  	v6 =	vmul.f32 $8.000000000e+00, v6;
	v7 =	vld [tilespmem:s5+$0x10];
	[tilespmem:s8+$0x50] =	vst v3  }
0x7e: {  	v2 =	vmul.f32 $8.000000000e+00, v2;
	v3 =	vld [tilespmem:s5+$0x60]  }
0x7f: {  	v8 =	vadd.f32 v9, v8;
	v9 =	vld [tilespmem:s8+$0xFFFFFFE0]  }
0x80: {  	v1 =	vadd.f32 v1, v4;
	v4 =	vld [tilespmem:s8+$0x20]  }
0x81: {  	[tilespmem:s8+$0xFFFFFF90] =	vst v8;
	v8 =	vld [tilespmem:s8+$0xFFFFFFB0];
	v5 =	vmul.f32 $8.000000000e+00, v5  }
0x82: {  	v10 =	vld [tilespmem:s5+$0xFFFFFFA0];
	[tilespmem:s8+$0xFFFFFFD0] =	vst v1;
	v1 =	vadd.f32 v7, v6  }
0x83: {  	v6 =	vld [tilespmem:s5+$0xFFFFFFE0];
	v3 =	vadd.f32 v3, v5  }
0x84: {  	v5 =	vmul.f32 $8.000000000e+00, v9;
	[tilespmem:s8+$0x10] =	vst v1;
	v7 =	vld [tilespmem:s8+$0x70]  }
0x85: {  	v9 =	vmul.f32 $8.000000000e+00, v4;
	v11 =	vld [tilespmem:s5+$0x20];
	[tilespmem:s8+$0x60] =	vst v3  }
0x86: {  	v1 =	vmul.f32 $8.000000000e+00, v8;
	v12 =	vld [tilespmem:s5+$0x70]  }
.Ltmp0:
0x87: {  	v4 =	vadd.f32 v10, v2;
	v3 =	vld [tilespmem:s8+$0xFFFFFFF0];
	(pc) =	sbr.rel @p1 .LBB2_3-.Ltmp0, $4  }
0x88: {  	v6 =	vadd.f32 v6, v5;
	v2 =	vld [tilespmem:s8+$0x30]  }
0x89: {  	[tilespmem:s8+$0xFFFFFFA0] =	vst v4;
	v7 =	vmul.f32 $8.000000000e+00, v7;
	v4 =	vld [tilespmem:s18+$0x30];
	s18 =	smov.u32 s5  }
0x8a: {  	v5 =	vld [tilespmem:s5+$0xFFFFFFB0];
	[tilespmem:s8+$0xFFFFFFE0] =	vst v6;
	v8 =	vadd.f32 v11, v9  }
0x8b: {  	s8 =	sadd.s32 $0x100, s8;
	v6 =	vld [tilespmem:s5+$0xFFFFFFF0];
	v7 =	vadd.f32 v12, v7  }
0x8c: {  	[tilespmem:s17+$0x20] =	vst v8  }
0x8d: {  	v8 =	vld [tilespmem:s18+$0x30];
	_ =	sdelay $0x1  }
0x8e: {  	v3 =	vmul.f32 $8.000000000e+00, v3;
	v0 =	vadd.f32 v4, v0  }
0x8f: {  	v2 =	vmul.f32 $8.000000000e+00, v2;
	[tilespmem:s17+$0x70] =	vst v7;
	v1 =	vadd.f32 v5, v1  }
0x90: {  	s5 =	sadd.s32 s3, s15;
	v3 =	vadd.f32 v6, v3;
	[tilespmem:s14+$0x30] =	vst v0  }
0x91: {  	s5 =	smul.u32 $0x640, s5;
	[tilespmem:s17+$0xFFFFFFB0] =	vst v1;
	v0 =	vadd.f32 v8, v2  }
0x92: {  	[tilespmem:s17+$0xFFFFFFF0] =	vst v3  }
0x93: {  	s5 =	sadd.s32 s6, s5;
	[tilespmem:s17+$0x30] =	vst v0  }
0x94: {  	[hbm4b:s5+s2] =	stream.linear.scatter [tilespmem:s12], [sflag:$0x5], $0x3200, $0x38;
	[tilespmem:$0x15E00] =	vst v63  }
0x95: {  	s14 =	sor.u32 $0x3, s15;
	s5 =	simm.s32 @!p0 $0x8  }
0x96: {  	s7 =	smul.u32 $0x320, s14;
	_ =	swait.ge @!p0 [sflag:s5], $0x3200  }
0x97: {  	[sflag:s5] =	ssyncset.done @!p0 $0x0  }
0x98: {  	s7 =	sshra.s32 s7, $0x2;
	[sflag:s5] =	ssyncadd.s32 @!p0 $0xFFFFCE00  }
0x99: {  	[tilespmem:s22], [sflag:$0x4] =	stream.indirect.gather [hbm4b:s4+s11], $0x40, s7, s11, $0xb8;
	[tilespmem:$0x15E00] =	vst v63  }
0x9a: {  	s5 =	sadd.s32 $0x80, s7  }
0x9b: {  	[tilespmem:s23], [sflag:$0x4] =	stream.indirect.gather [hbm4b:s4+s13], $0x40, s5, s13, $0xb8;
	[tilespmem:$0x15E00] =	vst v63  }
0x9c: {  	_ =	swait.ge [sflag:s24], $0x2000  }
0x9d: {  	[sflag:s24] =	ssyncset.done $0x0  }
0x9e: {  	[sflag:s24] =	ssyncadd.s32 $0xFFFFE000  }
0x9f: {  	_ =	swait.ge [sflag:s24], $0x1200  }
0xa0: {  	[sflag:s24] =	ssyncset.done $0x0  }
0xa1: {  	s17 =	simm.s32 $0xC8F0;
	[sflag:s24] =	ssyncadd.s32 $0xFFFFEE00  }
0xa2: {  	v0 =	vld [tilespmem:s17+$0xFFFFFFD0]  }
0xa3: {  	s8 =	simm.s32 $0x6480;
	v1 =	vld [tilespmem:s17+$0xFFFFFF50]  }
0xa4: {  	v2 =	vld [tilespmem:s8+$0x40]  }
0xa5: {  	v3 =	vld [tilespmem:s17+$0xFFFFFF10]  }
0xa6: {  	v4 =	vld [tilespmem:s17+$0xFFFFFF90]  }
0xa7: {  	v5 =	vld [tilespmem:s8+$0xFFFFFF80]  }
0xa8: {  	v6 =	vld [tilespmem:s8+$0xFFFFFFC0]  }
0xa9: {  	v7 =	vld [tilespmem:s8+$0x0]  }
0xaa: {  	s18 =	simm.s32 $0xC9F0;
	v8 =	vld [tilespmem:s17+$0xFFFFFF20]  }
0xab: {  	s5 =	simm.s32 $0x6580;
	v10 =	vld [tilespmem:s18+$0xFFFFFF50];
	v0 =	vmul.f32 $8.000000000e+00, v0  }
0xac: {  	v11 =	vld [tilespmem:s5+$0x40]  }
0xad: {  	v12 =	vld [tilespmem:s18+$0xFFFFFF10];
	v3 =	vmul.f32 $8.000000000e+00, v3;
	v1 =	vmul.f32 $8.000000000e+00, v1;
	v0 =	vadd.f32 v2, v0  }
0xae: {  	v2 =	vld [tilespmem:s17+$0xFFFFFFE0]  }
0xaf: {  	v3 =	vadd.f32 v5, v3;
	v1 =	vadd.f32 v6, v1;
	v5 =	vld [tilespmem:s17+$0xFFFFFF60];
	[tilespmem:s17+$0xFFFFFFD0] =	vst v0  }
0xb0: {  	v4 =	vmul.f32 $8.000000000e+00, v4;
	v0 =	vld [tilespmem:s8+$0x50]  }
0xb1: {  	v6 =	vld [tilespmem:s17+$0xFFFFFFA0];
	[tilespmem:s17+$0xFFFFFF50] =	vst v1  }
0xb2: {  	[tilespmem:s17+$0xFFFFFF10] =	vst v3;
	v1 =	vadd.f32 v7, v4;
	v4 =	vld [tilespmem:s8+$0xFFFFFFD0]  }
0xb3: {  	v3 =	vld [tilespmem:s8+$0xFFFFFF90];
	v2 =	vmul.f32 $8.000000000e+00, v2  }
0xb4: {  	v13 =	vld [tilespmem:s18+$0xFFFFFF90];
	[tilespmem:s17+$0xFFFFFF90] =	vst v1  }
0xb5: {  	v5 =	vmul.f32 $8.000000000e+00, v5;
	v0 =	vadd.f32 v0, v2;
	v2 =	vmul.f32 $8.000000000e+00, v8;
	v8 =	vld [tilespmem:s8+$0x10]  }
0xb6: {  	v14 =	vld [tilespmem:s5+$0xFFFFFF80]  }
0xb7: {  	v15 =	vld [tilespmem:s5+$0xFFFFFFC0];
	v4 =	vadd.f32 v4, v5  }
0xb8: {  	v5 =	vmul.f32 $8.000000000e+00, v6;
	v2 =	vadd.f32 v3, v2;
	v3 =	vld [tilespmem:s17+$0xFFFFFF70]  }
0xb9: {  	v16 =	vld [tilespmem:s5+$0x0];
	[tilespmem:s17+$0xFFFFFF60] =	vst v4  }
0xba: {  	v4 =	vadd.f32 v8, v5;
	v5 =	vld [tilespmem:s8+$0xFFFFFFE0]  }
0xbb: {  	v17 =	vld [tilespmem:s18+$0xFFFFFF20]  }
0xbc: {  	v54 =	vld [tilespmem:s18+$0xFFFFFF60]  }
0xbd: {  	v55 =	vld [tilespmem:s18+$0xFFFFFFA0];
	v3 =	vmul.f32 $8.000000000e+00, v3  }
0xbe: {  	v56 =	vld [tilespmem:s18+$0xFFFFFF30];
	v12 =	vmul.f32 $8.000000000e+00, v12  }
0xbf: {  	v57 =	vld [tilespmem:s18+$0xFFFFFFF0];
	v13 =	vmul.f32 $8.000000000e+00, v13;
	v3 =	vadd.f32 v5, v3  }
0xc0: {  	v60 =	vld [tilespmem:s18+$0xFFFFFF70];
	v12 =	vadd.f32 v14, v12  }
0xc1: {  	v13 =	vadd.f32 v16, v13;
	[tilespmem:s17+$0xFFFFFF70] =	vst v3;
	v3 =	vld [tilespmem:s18+$0xFFFFFFD0]  }
0xc2: {  	v7 =	vld [tilespmem:s17+$0xFFFFFF30];
	[tilespmem:s18+$0xFFFFFF10] =	vst v12  }
0xc3: {  	[tilespmem:s18+$0xFFFFFF90] =	vst v13;
	v12 =	vld [tilespmem:s5+$0xFFFFFF90]  }
0xc4: {  	v58 =	vld [tilespmem:s5+$0x10]  }
0xc5: {  	v1 =	vld [tilespmem:s17+$0xFFFFFFF0]  }
0xc6: {  	v6 =	vld [tilespmem:s17+$0xFFFFFFB0];
	[tilespmem:s17+$0xFFFFFFE0] =	vst v0;
	v3 =	vmul.f32 $8.000000000e+00, v3  }
0xc7: {  	v0 =	vld [tilespmem:s8+$0x60];
	[tilespmem:s17+$0xFFFFFF20] =	vst v2  }
0xc8: {  	v2 =	vld [tilespmem:s8+$0xFFFFFFA0];
	v3 =	vadd.f32 v11, v3  }
0xc9: {  	v11 =	vld [tilespmem:s18+$0xFFFFFFE0]  }
0xca: {  	v1 =	vmul.f32 $8.000000000e+00, v1;
	v8 =	vld [tilespmem:s17+$0xFFFFFF40];
	[tilespmem:s18+$0xFFFFFFD0] =	vst v3  }
0xcb: {  	v3 =	vmul.f32 $8.000000000e+00, v10;
	v10 =	vld [tilespmem:s5+$0x50]  }
0xcc: {  	[tilespmem:s17+$0xFFFFFFA0] =	vst v4;
	v4 =	vld [tilespmem:s17+$0x0];
	v0 =	vadd.f32 v0, v1;
	v1 =	vmul.f32 $8.000000000e+00, v7  }
0xcd: {  	v7 =	vld [tilespmem:s8+$0x20];
	v3 =	vadd.f32 v15, v3  }
0xce: {  	v1 =	vadd.f32 v2, v1;
	v2 =	vld [tilespmem:s17+$0xFFFFFF80];
	v11 =	vmul.f32 $8.000000000e+00, v11  }
0xcf: {  	v5 =	vld [tilespmem:s17+$0xFFFFFFC0];
	[tilespmem:s18+$0xFFFFFF50] =	vst v3  }
0xd0: {  	[tilespmem:s17+$0xFFFFFFF0] =	vst v0;
	v3 =	vld [tilespmem:s5+$0xFFFFFFD0];
	v10 =	vadd.f32 v10, v11  }
0xd1: {  	v0 =	vld [tilespmem:s8+$0x70];
	[tilespmem:s17+$0xFFFFFF30] =	vst v1  }
0xd2: {  	v1 =	vld [tilespmem:s8+$0xFFFFFFB0];
	v11 =	vmul.f32 $8.000000000e+00, v17;
	[tilespmem:s18+$0xFFFFFFE0] =	vst v10  }
0xd3: {  	v10 =	vmul.f32 $8.000000000e+00, v54;
	v59 =	vld [tilespmem:s5+$0x60]  }
0xd4: {  	v9 =	vld [tilespmem:s8+$0xFFFFFFF0];
	v11 =	vadd.f32 v12, v11  }
0xd5: {  	v15 =	vmul.f32 $8.000000000e+00, v55;
	v3 =	vadd.f32 v3, v10;
	v10 =	vld [tilespmem:s18+$0xFFFFFFB0]  }
0xd6: {  	v13 =	vmul.f32 $8.000000000e+00, v57;
	[tilespmem:s18+$0xFFFFFF20] =	vst v11;
	v11 =	vld [tilespmem:s18+$0xFFFFFF40]  }
0xd7: {  	v4 =	vmul.f32 $8.000000000e+00, v4;
	v61 =	vld [tilespmem:s5+$0xFFFFFFA0];
	[tilespmem:s18+$0xFFFFFF60] =	vst v3;
	v3 =	vmul.f32 $8.000000000e+00, v6;
	v6 =	vadd.f32 v58, v15  }
0xd8: {  	v62 =	vld [tilespmem:s5+$0xFFFFFFE0];
	v13 =	vadd.f32 v59, v13  }
0xd9: {  	v0 =	vadd.f32 v0, v4;
	v3 =	vadd.f32 v7, v3;
	v7 =	vmul.f32 $8.000000000e+00, v8;
	[tilespmem:s18+$0xFFFFFFA0] =	vst v6;
	v6 =	vld [tilespmem:s18+$0x0]  }
0xda: {  	v4 =	vmul.f32 $8.000000000e+00, v56;
	v8 =	vld [tilespmem:s5+$0x20];
	[tilespmem:s18+$0xFFFFFFF0] =	vst v13  }
0xdb: {  	[tilespmem:s17+$0x0] =	vst v0;
	v0 =	vmul.f32 $8.000000000e+00, v2;
	v1 =	vadd.f32 v1, v7;
	v7 =	vmul.f32 $8.000000000e+00, v60;
	v63 =	vld [tilespmem:s5+$0x70]  }
0xdc: {  	[tilespmem:s17+$0xFFFFFFB0] =	vst v3;
	v4 =	vadd.f32 v61, v4;
	v3 =	vld [tilespmem:s18+$0xFFFFFF80]  }
0xdd: {  	v2 =	vld [tilespmem:s18+$0xFFFFFFC0];
	[tilespmem:s17+$0xFFFFFF40] =	vst v1;
	v1 =	vadd.f32 v62, v7;
	v7 =	vadd.f32 v9, v0;
	v9 =	vmul.f32 $8.000000000e+00, v10  }
0xde: {  	[tilespmem:s18+$0xFFFFFF30] =	vst v4;
	v4 =	vld [tilespmem:s8+$0x30];
	v10 =	vmul.f32 $8.000000000e+00, v6  }
0xdf: {  	s28 =	simm.s32 $0xCAF0;
	v0 =	vmul.f32 $8.000000000e+00, v5;
	v5 =	vld [tilespmem:s5+$0xFFFFFFB0];
	[tilespmem:s18+$0xFFFFFF70] =	vst v1;
	v8 =	vadd.f32 v8, v9  }
0xe0: {  	s15 =	sor.u32 $0x1, s15;
	s7 =	simm.s32 $0x4;
	s8 =	simm.s32 $0x6580;
	[tilespmem:s17+$0xFFFFFF80] =	vst v7;
	v1 =	vmul.f32 $8.000000000e+00, v11;
	v6 =	vld [tilespmem:s5+$0xFFFFFFF0];
	v7 =	vadd.f32 v63, v10  }
.LBB2_5:
0xe1: {  	v9 =	vld [tilespmem:s28+$0xFFFFFFD0];
	s7 =	sadd.s32 $0x4, s7;
	v3 =	vmul.f32 $8.000000000e+00, v3;
	[tilespmem:s18+$0xFFFFFFB0] =	vst v8  }
0xe2: {  	s5 =	sadd.s32 $0x100, s5;
	v8 =	vld [tilespmem:s28+$0xFFFFFF50];
	p0 =	slt.u32 s7, $0xC4;
	v2 =	vmul.f32 $8.000000000e+00, v2;
	[tilespmem:s18+$0x0] =	vst v7  }
0xe3: {  	v7 =	vld [tilespmem:s5+$0x40];
	v4 =	vadd.f32 v4, v0  }
0xe4: {  	v10 =	vld [tilespmem:s28+$0xFFFFFF90];
	v1 =	vadd.f32 v5, v1;
	v0 =	vmov v2  }
0xe5: {  	v2 =	vld [tilespmem:s28+$0xFFFFFF10];
	v3 =	vadd.f32 v6, v3;
	[tilespmem:s17+$0xFFFFFFC0] =	vst v4;
	s17 =	smov.u32 s18;
	s18 =	smov.u32 s28  }
0xe6: {  	v4 =	vld [tilespmem:s5+$0xFFFFFF80];
	v5 =	vmul.f32 $8.000000000e+00, v9;
	[tilespmem:s17+$0xFFFFFF40] =	vst v1  }
0xe7: {  	v1 =	vmul.f32 $8.000000000e+00, v8;
	v6 =	vld [tilespmem:s5+$0xFFFFFFC0];
	[tilespmem:s17+$0xFFFFFF80] =	vst v3  }
0xe8: {  	v3 =	vld [tilespmem:s5+$0x0];
	v5 =	vadd.f32 v7, v5  }
0xe9: {  	v7 =	vmul.f32 $8.000000000e+00, v10;
	v8 =	vld [tilespmem:s28+$0xFFFFFFE0]  }
0xea: {  	v2 =	vmul.f32 $8.000000000e+00, v2;
	v9 =	vld [tilespmem:s28+$0xFFFFFF20];
	[tilespmem:s28+$0xFFFFFFD0] =	vst v5  }
0xeb: {  	v5 =	vld [tilespmem:s5+$0x50]  }
0xec: {  	v2 =	vadd.f32 v4, v2;
	v1 =	vadd.f32 v6, v1;
	v4 =	vld [tilespmem:s28+$0xFFFFFF60]  }
0xed: {  	v3 =	vadd.f32 v3, v7;
	v6 =	vld [tilespmem:s28+$0xFFFFFFA0]  }
0xee: {  	[tilespmem:s28+$0xFFFFFF10] =	vst v2;
	v2 =	vld [tilespmem:s28+$0xFFFFFF30];
	v7 =	vmul.f32 $8.000000000e+00, v8  }
0xef: {  	v8 =	vmul.f32 $8.000000000e+00, v9;
	v9 =	vld [tilespmem:s5+$0xFFFFFF90];
	[tilespmem:s28+$0xFFFFFF50] =	vst v1  }
0xf0: {  	v1 =	vld [tilespmem:s5+$0xFFFFFFD0];
	[tilespmem:s28+$0xFFFFFF90] =	vst v3;
	v3 =	vadd.f32 v5, v7  }
0xf1: {  	v4 =	vmul.f32 $8.000000000e+00, v4;
	v5 =	vld [tilespmem:s28+$0xFFFFFFF0]  }
0xf2: {  	v6 =	vmul.f32 $8.000000000e+00, v6;
	v7 =	vld [tilespmem:s5+$0x10];
	[tilespmem:s28+$0xFFFFFFE0] =	vst v3  }
0xf3: {  	v2 =	vmul.f32 $8.000000000e+00, v2;
	v3 =	vld [tilespmem:s5+$0x60]  }
0xf4: {  	v8 =	vadd.f32 v9, v8;
	v9 =	vld [tilespmem:s28+$0xFFFFFF70]  }
0xf5: {  	v1 =	vadd.f32 v1, v4;
	v4 =	vld [tilespmem:s28+$0xFFFFFFB0]  }
0xf6: {  	[tilespmem:s28+$0xFFFFFF20] =	vst v8;
	v8 =	vld [tilespmem:s28+$0xFFFFFF40];
	v5 =	vmul.f32 $8.000000000e+00, v5  }
0xf7: {  	v10 =	vld [tilespmem:s5+$0xFFFFFFA0];
	[tilespmem:s28+$0xFFFFFF60] =	vst v1;
	v1 =	vadd.f32 v7, v6  }
0xf8: {  	v6 =	vld [tilespmem:s5+$0xFFFFFFE0];
	v3 =	vadd.f32 v3, v5  }
0xf9: {  	v5 =	vmul.f32 $8.000000000e+00, v9;
	[tilespmem:s28+$0xFFFFFFA0] =	vst v1;
	v7 =	vld [tilespmem:s28+$0x0]  }
0xfa: {  	v9 =	vmul.f32 $8.000000000e+00, v4;
	v11 =	vld [tilespmem:s5+$0x20];
	[tilespmem:s28+$0xFFFFFFF0] =	vst v3  }
0xfb: {  	v1 =	vmul.f32 $8.000000000e+00, v8;
	v12 =	vld [tilespmem:s5+$0x70]  }
.Ltmp1:
0xfc: {  	v4 =	vadd.f32 v10, v2;
	v3 =	vld [tilespmem:s28+$0xFFFFFF80];
	(pc) =	sbr.rel @p0 .LBB2_5-.Ltmp1, $4  }
0xfd: {  	v6 =	vadd.f32 v6, v5;
	v2 =	vld [tilespmem:s28+$0xFFFFFFC0]  }
0xfe: {  	[tilespmem:s28+$0xFFFFFF30] =	vst v4;
	v7 =	vmul.f32 $8.000000000e+00, v7;
	v4 =	vld [tilespmem:s8+$0x30];
	s8 =	smov.u32 s5  }
0xff: {  	v5 =	vld [tilespmem:s5+$0xFFFFFFB0];
	[tilespmem:s28+$0xFFFFFF70] =	vst v6;
	v8 =	vadd.f32 v11, v9  }
0x100: {  	s28 =	sadd.s32 $0x100, s28;
	v6 =	vld [tilespmem:s5+$0xFFFFFFF0];
	v7 =	vadd.f32 v12, v7  }
0x101: {  	[tilespmem:s18+$0xFFFFFFB0] =	vst v8  }
0x102: {  	v8 =	vld [tilespmem:s8+$0x30];
	_ =	sdelay $0x1  }
0x103: {  	v3 =	vmul.f32 $8.000000000e+00, v3;
	v0 =	vadd.f32 v4, v0  }
0x104: {  	v2 =	vmul.f32 $8.000000000e+00, v2;
	[tilespmem:s18+$0x0] =	vst v7;
	v1 =	vadd.f32 v5, v1  }
0x105: {  	s5 =	sadd.s32 s3, s15;
	v3 =	vadd.f32 v6, v3;
	[tilespmem:s17+$0xFFFFFFC0] =	vst v0  }
0x106: {  	s5 =	smul.u32 $0x640, s5;
	[tilespmem:s18+$0xFFFFFF40] =	vst v1;
	v0 =	vadd.f32 v8, v2  }
0x107: {  	[tilespmem:s18+$0xFFFFFF80] =	vst v3  }
0x108: {  	p0 =	seq.s32 s0, $0x1F;
	s5 =	sadd.s32 s6, s5;
	[tilespmem:s18+$0xFFFFFFC0] =	vst v0  }
0x109: {  	[hbm4b:s5+s2] =	stream.linear.scatter [tilespmem:s16], [sflag:$0x6], $0x3200, $0x38;
	[tilespmem:$0x15E00] =	vst v63  }
0x10a: {  	s7 =	smul.u32 @!p0 $0xC80, s0;
	s5 =	simm.s32 @!p0 $0x5  }
0x10b: {  	_ =	swait.ge @!p0 [sflag:s5], $0x3200  }
0x10c: {  	s8 =	simm.s32 @!p0 $0x9600;
	s15 =	sshra.s32 @!p0 s7, $0x2;
	[sflag:s5] =	ssyncset.done @!p0 $0x0  }
0x10d: {  	s7 =	simm.s32 @!p0 $0x80;
	[sflag:s5] =	ssyncadd.s32 @!p0 $0xFFFFCE00;
	s5 =	sadd.s32 @!p0 $0x320, s15  }
0x10e: {  	[tilespmem:s8], [sflag:$0x1] =	stream.indirect.gather @!p0 [hbm4b:s4+s7], $0x40, s5, s7, $0xb8;
	[tilespmem:$0x15E00] =	vst v63  }
0x10f: {  	s5 =	sadd.s32 @!p0 $0x3A0, s15;
	s7 =	simm.s32 @!p0 $0x48;
	s8 =	simm.s32 @!p0 $0xB600  }
0x110: {  	[tilespmem:s8], [sflag:$0x1] =	stream.indirect.gather @!p0 [hbm4b:s4+s7], $0x40, s5, s7, $0xb8;
	[tilespmem:$0x15E00] =	vst v63  }
0x111: {  	_ =	swait.ge [sflag:s25], $0x2000  }
0x112: {  	[sflag:s25] =	ssyncset.done $0x0  }
0x113: {  	[sflag:s25] =	ssyncadd.s32 $0xFFFFE000  }
0x114: {  	_ =	swait.ge [sflag:s25], $0x1200  }
0x115: {  	[sflag:s25] =	ssyncset.done $0x0  }
0x116: {  	s5 =	simm.s32 $0x0;
	[sflag:s25] =	ssyncadd.s32 $0xFFFFEE00  }
0x117: {  	v0 =	vld [tilespmem:s5+$0xFAF0]  }
0x118: {  	v1 =	vld [tilespmem:s5+$0xFA00]  }
0x119: {  	v2 =	vld [tilespmem:s5+$0x64F0]  }
0x11a: {  	v3 =	vld [tilespmem:s5+$0xFA10]  }
0x11b: {  	v4 =	vld [tilespmem:s5+$0xFA20]  }
0x11c: {  	v5 =	vld [tilespmem:s5+$0xFA30]  }
0x11d: {  	v6 =	vld [tilespmem:s5+$0xFA40]  }
0x11e: {  	v7 =	vld [tilespmem:s5+$0xFA50]  }
0x11f: {  	v8 =	vld [tilespmem:s5+$0xFA60]  }
0x120: {  	v9 =	vld [tilespmem:s5+$0xFA70]  }
0x121: {  	v10 =	vld [tilespmem:s5+$0xFA80]  }
0x122: {  	v11 =	vld [tilespmem:s5+$0xFAA0]  }
0x123: {  	v12 =	vld [tilespmem:s5+$0xFAC0]  }
0x124: {  	v13 =	vld [tilespmem:s5+$0xFAD0]  }
0x125: {  	v14 =	vld [tilespmem:s5+$0xFAE0]  }
0x126: {  	v15 =	vld [tilespmem:s5+$0x6400]  }
0x127: {  	v16 =	vld [tilespmem:s5+$0x6410]  }
0x128: {  	v17 =	vld [tilespmem:s5+$0x6420]  }
0x129: {  	v18 =	vld [tilespmem:s5+$0x6430]  }
0x12a: {  	v19 =	vld [tilespmem:s5+$0x6440];
	v0 =	vmul.f32 $8.000000000e+00, v0  }
0x12b: {  	v61 =	vld [tilespmem:s5+$0x6460];
	v1 =	vmul.f32 $8.000000000e+00, v1  }
0x12c: {  	v62 =	vld [tilespmem:s5+$0x6470];
	v3 =	vmul.f32 $8.000000000e+00, v3;
	v0 =	vadd.f32 v2, v0  }
0x12d: {  	v4 =	vmul.f32 $8.000000000e+00, v4;
	v1 =	vadd.f32 v15, v1;
	v15 =	vld [tilespmem:s5+$0x6450]  }
0x12e: {  	v63 =	vld [tilespmem:s5+$0x6480];
	v5 =	vmul.f32 $8.000000000e+00, v5;
	v3 =	vadd.f32 v16, v3;
	[tilespmem:s5+$0xFAF0] =	vst v0  }
0x12f: {  	v6 =	vmul.f32 $8.000000000e+00, v6;
	v2 =	vld [tilespmem:s5+$0xFA90];
	[tilespmem:s5+$0xFA00] =	vst v1;
	v1 =	vadd.f32 v17, v4  }
0x130: {  	v0 =	vld [tilespmem:s5+$0xFAB0];
	v4 =	vmul.f32 $8.000000000e+00, v7;
	[tilespmem:s5+$0xFA10] =	vst v3;
	v3 =	vadd.f32 v18, v5  }
0x131: {  	v8 =	vmul.f32 $8.000000000e+00, v8;
	[tilespmem:s5+$0xFA20] =	vst v1;
	v1 =	vadd.f32 v19, v6;
	v6 =	vld [tilespmem:s5+$0x6490]  }
0x132: {  	v20 =	vmul.f32 $8.000000000e+00, v9;
	v10 =	vmul.f32 $8.000000000e+00, v10;
	v7 =	vld [tilespmem:s5+$0x64A0];
	[tilespmem:s5+$0xFA30] =	vst v3;
	v9 =	vadd.f32 v15, v4  }
0x133: {  	v3 =	vmul.f32 $8.000000000e+00, v12;
	v4 =	vmul.f32 $8.000000000e+00, v11;
	v11 =	vadd.f32 v61, v8;
	v8 =	vld [tilespmem:s5+$0x64B0];
	[tilespmem:s5+$0xFA40] =	vst v1  }
0x134: {  	v12 =	vadd.f32 v62, v20;
	v5 =	vmul.f32 $8.000000000e+00, v2;
	v1 =	vmul.f32 $8.000000000e+00, v14;
	[tilespmem:s5+$0xFA50] =	vst v9;
	v9 =	vld [tilespmem:s5+$0x64C0]  }
0x135: {  	s7 =	simm.s32 $0x0;
	s8 =	simm.s32 $0x400;
	v2 =	vmul.f32 $8.000000000e+00, v0;
	v0 =	vmul.f32 $8.000000000e+00, v13;
	[tilespmem:s5+$0xFA60] =	vst v11;
	v11 =	vadd.f32 v63, v10;
	v10 =	vld [tilespmem:s5+$0x64D0]  }
.LBB2_7:
0x136: {  	s17 =	sshra.s32 s8, $0x2;
	s7 =	sadd.s32 $0x4, s7;
	[tilespmem:s5+$0xFA70] =	vst v12;
	v5 =	vadd.f32 v6, v5;
	v6 =	vld [tilespmem:s5+$0x64E0]  }
0x137: {  	v12 =	vld [tilespmem:s17+$0xFAF0];
	p1 =	slt.u32 s7, $0xC4;
	[tilespmem:s5+$0xFA80] =	vst v11;
	v4 =	vadd.f32 v7, v4  }
0x138: {  	v7 =	vld [tilespmem:s17+$0xFA00];
	[tilespmem:s5+$0xFA90] =	vst v5;
	v2 =	vadd.f32 v8, v2  }
0x139: {  	v5 =	vld [tilespmem:s17+$0x64F0];
	[tilespmem:s5+$0xFAA0] =	vst v4;
	v3 =	vadd.f32 v9, v3  }
0x13a: {  	v4 =	vld [tilespmem:s17+$0xFA10];
	[tilespmem:s5+$0xFAB0] =	vst v2;
	v0 =	vadd.f32 v10, v0  }
0x13b: {  	v2 =	vld [tilespmem:s17+$0xFA20];
	[tilespmem:s5+$0xFAC0] =	vst v3;
	v1 =	vadd.f32 v6, v1  }
0x13c: {  	v3 =	vld [tilespmem:s17+$0xFA30];
	v6 =	vmul.f32 $8.000000000e+00, v12;
	[tilespmem:s5+$0xFAD0] =	vst v0  }
0x13d: {  	v7 =	vmul.f32 $8.000000000e+00, v7;
	v0 =	vld [tilespmem:s17+$0xFA40];
	[tilespmem:s5+$0xFAE0] =	vst v1;
	s5 =	smov.u32 s17  }
0x13e: {  	v1 =	vld [tilespmem:s5+$0xFA50];
	v5 =	vadd.f32 v5, v6  }
0x13f: {  	v6 =	vmul.f32 $8.000000000e+00, v4;
	v4 =	vld [tilespmem:s5+$0xFA60]  }
0x140: {  	v8 =	vmul.f32 $8.000000000e+00, v2;
	v2 =	vld [tilespmem:s5+$0xFA70];
	[tilespmem:s5+$0xFAF0] =	vst v5  }
0x141: {  	v9 =	vmul.f32 $8.000000000e+00, v3;
	v3 =	vld [tilespmem:s5+$0xFA80]  }
0x142: {  	v10 =	vmul.f32 $8.000000000e+00, v0;
	v0 =	vld [tilespmem:s5+$0xFA90]  }
0x143: {  	v11 =	vmul.f32 $8.000000000e+00, v1;
	v1 =	vld [tilespmem:s5+$0xFAA0]  }
0x144: {  	v12 =	vmul.f32 $8.000000000e+00, v4;
	v13 =	vld [tilespmem:s5+$0xFAB0]  }
0x145: {  	v14 =	vmul.f32 $8.000000000e+00, v2;
	v15 =	vld [tilespmem:s5+$0xFAC0]  }
0x146: {  	v16 =	vmul.f32 $8.000000000e+00, v3;
	v17 =	vld [tilespmem:s5+$0xFAD0]  }
0x147: {  	v5 =	vmul.f32 $8.000000000e+00, v0;
	v18 =	vld [tilespmem:s5+$0xFAE0]  }
0x148: {  	v19 =	vld [tilespmem:s5+$0x6400];
	v4 =	vmul.f32 $8.000000000e+00, v1  }
0x149: {  	v20 =	vld [tilespmem:s5+$0x6410];
	v2 =	vmul.f32 $8.000000000e+00, v13  }
0x14a: {  	v13 =	vld [tilespmem:s5+$0x6420];
	v3 =	vmul.f32 $8.000000000e+00, v15  }
0x14b: {  	v15 =	vld [tilespmem:s5+$0x6430];
	v0 =	vmul.f32 $8.000000000e+00, v17  }
0x14c: {  	v17 =	vld [tilespmem:s5+$0x6440];
	v1 =	vmul.f32 $8.000000000e+00, v18  }
0x14d: {  	v7 =	vadd.f32 v19, v7;
	v18 =	vld [tilespmem:s5+$0x6450]  }
0x14e: {  	v6 =	vadd.f32 v20, v6;
	v19 =	vld [tilespmem:s5+$0x6460]  }
0x14f: {  	[tilespmem:s5+$0xFA00] =	vst v7;
	v7 =	vadd.f32 v13, v8;
	v13 =	vld [tilespmem:s5+$0x6470]  }
0x150: {  	[tilespmem:s5+$0xFA10] =	vst v6;
	v8 =	vadd.f32 v15, v9;
	v15 =	vld [tilespmem:s5+$0x6480]  }
.Ltmp2:
0x151: {  	[tilespmem:s5+$0xFA20] =	vst v7;
	v9 =	vadd.f32 v17, v10;
	v6 =	vld [tilespmem:s5+$0x6490];
	(pc) =	sbr.rel @p1 .LBB2_7-.Ltmp2, $4  }
0x152: {  	[tilespmem:s5+$0xFA30] =	vst v8;
	v10 =	vadd.f32 v18, v11;
	v7 =	vld [tilespmem:s5+$0x64A0]  }
0x153: {  	[tilespmem:s5+$0xFA40] =	vst v9;
	v11 =	vadd.f32 v19, v12;
	v8 =	vld [tilespmem:s5+$0x64B0]  }
0x154: {  	[tilespmem:s5+$0xFA50] =	vst v10;
	v12 =	vadd.f32 v13, v14;
	v9 =	vld [tilespmem:s5+$0x64C0]  }
0x155: {  	s8 =	sadd.s32 $0x400, s8;
	[tilespmem:s5+$0xFA60] =	vst v11;
	v11 =	vadd.f32 v15, v16;
	v10 =	vld [tilespmem:s5+$0x64D0]  }
0x156: {  	[tilespmem:s5+$0xFA70] =	vst v12;
	v5 =	vadd.f32 v6, v5;
	v6 =	vld [tilespmem:s5+$0x64E0]  }
0x157: {  	[tilespmem:s5+$0xFA80] =	vst v11;
	v4 =	vadd.f32 v7, v4  }
0x158: {  	[tilespmem:s5+$0xFA90] =	vst v5;
	v2 =	vadd.f32 v8, v2  }
0x159: {  	[tilespmem:s5+$0xFAA0] =	vst v4;
	v3 =	vadd.f32 v9, v3  }
0x15a: {  	s7 =	sadd.s32 s3, s9;
	[tilespmem:s5+$0xFAB0] =	vst v2;
	v0 =	vadd.f32 v10, v0  }
0x15b: {  	s7 =	smul.u32 $0x640, s7;
	[tilespmem:s5+$0xFAC0] =	vst v3;
	v1 =	vadd.f32 v6, v1  }
0x15c: {  	[tilespmem:s5+$0xFAD0] =	vst v0  }
0x15d: {  	s28 =	sadd.s32 s6, s7;
	[tilespmem:s5+$0xFAE0] =	vst v1;
	s5 =	simm.s32 @!p0 $0x6  }
0x15e: {  	[hbm4b:s28+s2] =	stream.linear.scatter [tilespmem:s19], [sflag:$0x7], $0x3200, $0x38;
	[tilespmem:$0x15E00] =	vst v63  }
0x15f: {  	_ =	swait.ge @!p0 [sflag:s5], $0x3200  }
0x160: {  	s8 =	simm.s32 @!p0 $0xC800;
	[sflag:s5] =	ssyncset.done @!p0 $0x0  }
0x161: {  	s7 =	simm.s32 @!p0 $0x80;
	[sflag:s5] =	ssyncadd.s32 @!p0 $0xFFFFCE00;
	s5 =	sadd.s32 @!p0 $0x3E8, s15  }
0x162: {  	[tilespmem:s8], [sflag:$0x2] =	stream.indirect.gather @!p0 [hbm4b:s4+s7], $0x40, s5, s7, $0xb8;
	[tilespmem:$0x15E00] =	vst v63  }
0x163: {  	s5 =	sadd.s32 @!p0 $0x468, s15;
	s7 =	simm.s32 @!p0 $0x48;
	s8 =	simm.s32 @!p0 $0xE800  }
0x164: {  	[tilespmem:s8], [sflag:$0x2] =	stream.indirect.gather @!p0 [hbm4b:s4+s7], $0x40, s5, s7, $0xb8;
	[tilespmem:$0x15E00] =	vst v63  }
0x165: {  	_ =	swait.ge [sflag:s26], $0x2000  }
0x166: {  	[sflag:s26] =	ssyncset.done $0x0  }
0x167: {  	[sflag:s26] =	ssyncadd.s32 $0xFFFFE000  }
0x168: {  	_ =	swait.ge [sflag:s26], $0x1200  }
0x169: {  	[sflag:s26] =	ssyncset.done $0x0  }
0x16a: {  	s5 =	simm.s32 $0x0;
	[sflag:s26] =	ssyncadd.s32 $0xFFFFEE00  }
0x16b: {  	v0 =	vld [tilespmem:s5+$0x12CF0]  }
0x16c: {  	v1 =	vld [tilespmem:s5+$0x12C00]  }
0x16d: {  	v2 =	vld [tilespmem:s5+$0x64F0]  }
0x16e: {  	v3 =	vld [tilespmem:s5+$0x12C10]  }
0x16f: {  	v4 =	vld [tilespmem:s5+$0x12C20]  }
0x170: {  	v5 =	vld [tilespmem:s5+$0x12C30]  }
0x171: {  	v6 =	vld [tilespmem:s5+$0x12C40]  }
0x172: {  	v7 =	vld [tilespmem:s5+$0x12C50]  }
0x173: {  	v8 =	vld [tilespmem:s5+$0x12C60]  }
0x174: {  	v9 =	vld [tilespmem:s5+$0x12C70]  }
0x175: {  	v10 =	vld [tilespmem:s5+$0x12C80]  }
0x176: {  	v11 =	vld [tilespmem:s5+$0x12CA0]  }
0x177: {  	v12 =	vld [tilespmem:s5+$0x12CC0]  }
0x178: {  	v13 =	vld [tilespmem:s5+$0x12CD0]  }
0x179: {  	v14 =	vld [tilespmem:s5+$0x12CE0]  }
0x17a: {  	v15 =	vld [tilespmem:s5+$0x6400]  }
0x17b: {  	v16 =	vld [tilespmem:s5+$0x6410]  }
0x17c: {  	v17 =	vld [tilespmem:s5+$0x6420]  }
0x17d: {  	v18 =	vld [tilespmem:s5+$0x6430]  }
0x17e: {  	v19 =	vld [tilespmem:s5+$0x6440];
	v0 =	vmul.f32 $8.000000000e+00, v0  }
0x17f: {  	v61 =	vld [tilespmem:s5+$0x6460];
	v1 =	vmul.f32 $8.000000000e+00, v1  }
0x180: {  	v62 =	vld [tilespmem:s5+$0x6470];
	v3 =	vmul.f32 $8.000000000e+00, v3;
	v0 =	vadd.f32 v2, v0  }
0x181: {  	v4 =	vmul.f32 $8.000000000e+00, v4;
	v1 =	vadd.f32 v15, v1;
	v15 =	vld [tilespmem:s5+$0x6450]  }
0x182: {  	v63 =	vld [tilespmem:s5+$0x6480];
	v5 =	vmul.f32 $8.000000000e+00, v5;
	v3 =	vadd.f32 v16, v3;
	[tilespmem:s5+$0x12CF0] =	vst v0  }
0x183: {  	v6 =	vmul.f32 $8.000000000e+00, v6;
	v2 =	vld [tilespmem:s5+$0x12C90];
	[tilespmem:s5+$0x12C00] =	vst v1;
	v1 =	vadd.f32 v17, v4  }
0x184: {  	v0 =	vld [tilespmem:s5+$0x12CB0];
	v4 =	vmul.f32 $8.000000000e+00, v7;
	[tilespmem:s5+$0x12C10] =	vst v3;
	v3 =	vadd.f32 v18, v5  }
0x185: {  	v8 =	vmul.f32 $8.000000000e+00, v8;
	[tilespmem:s5+$0x12C20] =	vst v1;
	v1 =	vadd.f32 v19, v6;
	v6 =	vld [tilespmem:s5+$0x6490]  }
0x186: {  	v20 =	vmul.f32 $8.000000000e+00, v9;
	v10 =	vmul.f32 $8.000000000e+00, v10;
	v7 =	vld [tilespmem:s5+$0x64A0];
	[tilespmem:s5+$0x12C30] =	vst v3;
	v9 =	vadd.f32 v15, v4  }
0x187: {  	v3 =	vmul.f32 $8.000000000e+00, v12;
	v4 =	vmul.f32 $8.000000000e+00, v11;
	v11 =	vadd.f32 v61, v8;
	v8 =	vld [tilespmem:s5+$0x64B0];
	[tilespmem:s5+$0x12C40] =	vst v1  }
0x188: {  	v12 =	vadd.f32 v62, v20;
	v5 =	vmul.f32 $8.000000000e+00, v2;
	v1 =	vmul.f32 $8.000000000e+00, v14;
	[tilespmem:s5+$0x12C50] =	vst v9;
	v9 =	vld [tilespmem:s5+$0x64C0]  }
0x189: {  	s7 =	simm.s32 $0x0;
	s8 =	simm.s32 $0x400;
	v2 =	vmul.f32 $8.000000000e+00, v0;
	v0 =	vmul.f32 $8.000000000e+00, v13;
	[tilespmem:s5+$0x12C60] =	vst v11;
	v11 =	vadd.f32 v63, v10;
	v10 =	vld [tilespmem:s5+$0x64D0]  }
.LBB2_9:
0x18a: {  	s9 =	sshra.s32 s8, $0x2;
	s7 =	sadd.s32 $0x4, s7;
	[tilespmem:s5+$0x12C70] =	vst v12;
	v5 =	vadd.f32 v6, v5;
	v6 =	vld [tilespmem:s5+$0x64E0]  }
0x18b: {  	v12 =	vld [tilespmem:s9+$0x12CF0];
	p0 =	slt.u32 s7, $0xC4;
	[tilespmem:s5+$0x12C80] =	vst v11;
	v4 =	vadd.f32 v7, v4  }
0x18c: {  	v7 =	vld [tilespmem:s9+$0x12C00];
	[tilespmem:s5+$0x12C90] =	vst v5;
	v2 =	vadd.f32 v8, v2  }
0x18d: {  	v5 =	vld [tilespmem:s9+$0x64F0];
	[tilespmem:s5+$0x12CA0] =	vst v4;
	v3 =	vadd.f32 v9, v3  }
0x18e: {  	v4 =	vld [tilespmem:s9+$0x12C10];
	[tilespmem:s5+$0x12CB0] =	vst v2;
	v0 =	vadd.f32 v10, v0  }
0x18f: {  	v2 =	vld [tilespmem:s9+$0x12C20];
	[tilespmem:s5+$0x12CC0] =	vst v3;
	v1 =	vadd.f32 v6, v1  }
0x190: {  	v3 =	vld [tilespmem:s9+$0x12C30];
	v6 =	vmul.f32 $8.000000000e+00, v12;
	[tilespmem:s5+$0x12CD0] =	vst v0  }
0x191: {  	v7 =	vmul.f32 $8.000000000e+00, v7;
	v0 =	vld [tilespmem:s9+$0x12C40];
	[tilespmem:s5+$0x12CE0] =	vst v1;
	s5 =	smov.u32 s9  }
0x192: {  	v1 =	vld [tilespmem:s5+$0x12C50];
	v5 =	vadd.f32 v5, v6  }
0x193: {  	v6 =	vmul.f32 $8.000000000e+00, v4;
	v4 =	vld [tilespmem:s5+$0x12C60]  }
0x194: {  	v8 =	vmul.f32 $8.000000000e+00, v2;
	v2 =	vld [tilespmem:s5+$0x12C70];
	[tilespmem:s5+$0x12CF0] =	vst v5  }
0x195: {  	v9 =	vmul.f32 $8.000000000e+00, v3;
	v3 =	vld [tilespmem:s5+$0x12C80]  }
0x196: {  	v10 =	vmul.f32 $8.000000000e+00, v0;
	v0 =	vld [tilespmem:s5+$0x12C90]  }
0x197: {  	v11 =	vmul.f32 $8.000000000e+00, v1;
	v1 =	vld [tilespmem:s5+$0x12CA0]  }
0x198: {  	v12 =	vmul.f32 $8.000000000e+00, v4;
	v13 =	vld [tilespmem:s5+$0x12CB0]  }
0x199: {  	v14 =	vmul.f32 $8.000000000e+00, v2;
	v15 =	vld [tilespmem:s5+$0x12CC0]  }
0x19a: {  	v16 =	vmul.f32 $8.000000000e+00, v3;
	v17 =	vld [tilespmem:s5+$0x12CD0]  }
0x19b: {  	v5 =	vmul.f32 $8.000000000e+00, v0;
	v18 =	vld [tilespmem:s5+$0x12CE0]  }
0x19c: {  	v19 =	vld [tilespmem:s5+$0x6400];
	v4 =	vmul.f32 $8.000000000e+00, v1  }
0x19d: {  	v20 =	vld [tilespmem:s5+$0x6410];
	v2 =	vmul.f32 $8.000000000e+00, v13  }
0x19e: {  	v13 =	vld [tilespmem:s5+$0x6420];
	v3 =	vmul.f32 $8.000000000e+00, v15  }
0x19f: {  	v15 =	vld [tilespmem:s5+$0x6430];
	v0 =	vmul.f32 $8.000000000e+00, v17  }
0x1a0: {  	v17 =	vld [tilespmem:s5+$0x6440];
	v1 =	vmul.f32 $8.000000000e+00, v18  }
0x1a1: {  	v7 =	vadd.f32 v19, v7;
	v18 =	vld [tilespmem:s5+$0x6450]  }
0x1a2: {  	v6 =	vadd.f32 v20, v6;
	v19 =	vld [tilespmem:s5+$0x6460]  }
0x1a3: {  	[tilespmem:s5+$0x12C00] =	vst v7;
	v7 =	vadd.f32 v13, v8;
	v13 =	vld [tilespmem:s5+$0x6470]  }
0x1a4: {  	[tilespmem:s5+$0x12C10] =	vst v6;
	v8 =	vadd.f32 v15, v9;
	v15 =	vld [tilespmem:s5+$0x6480]  }
.Ltmp3:
0x1a5: {  	[tilespmem:s5+$0x12C20] =	vst v7;
	v9 =	vadd.f32 v17, v10;
	v6 =	vld [tilespmem:s5+$0x6490];
	(pc) =	sbr.rel @p0 .LBB2_9-.Ltmp3, $4  }
0x1a6: {  	[tilespmem:s5+$0x12C30] =	vst v8;
	v10 =	vadd.f32 v18, v11;
	v7 =	vld [tilespmem:s5+$0x64A0]  }
0x1a7: {  	[tilespmem:s5+$0x12C40] =	vst v9;
	v11 =	vadd.f32 v19, v12;
	v8 =	vld [tilespmem:s5+$0x64B0]  }
0x1a8: {  	[tilespmem:s5+$0x12C50] =	vst v10;
	v12 =	vadd.f32 v13, v14;
	v9 =	vld [tilespmem:s5+$0x64C0]  }
0x1a9: {  	s8 =	sadd.s32 $0x400, s8;
	[tilespmem:s5+$0x12C60] =	vst v11;
	v11 =	vadd.f32 v15, v16;
	v10 =	vld [tilespmem:s5+$0x64D0]  }
0x1aa: {  	[tilespmem:s5+$0x12C70] =	vst v12;
	v5 =	vadd.f32 v6, v5;
	v63 =	vld [tilespmem:s5+$0x64E0]  }
0x1ab: {  	[tilespmem:s5+$0x12C80] =	vst v11;
	v4 =	vadd.f32 v7, v4  }
0x1ac: {  	s0 =	sadd.s32 $0x1, s0;
	[tilespmem:s5+$0x12C90] =	vst v5;
	v2 =	vadd.f32 v8, v2  }
0x1ad: {  	p0 =	sne.s32 s0, $0x20;
	[tilespmem:s5+$0x12CA0] =	vst v4;
	v3 =	vadd.f32 v9, v3  }
.Ltmp4:
0x1ae: {  	s7 =	sadd.s32 s3, s14;
	[tilespmem:s5+$0x12CB0] =	vst v2;
	v0 =	vadd.f32 v10, v0;
	(pc) =	sbr.rel @p0 .LBB2_2-.Ltmp4, $4  }
0x1af: {  	s7 =	smul.u32 $0x640, s7;
	[tilespmem:s5+$0x12CC0] =	vst v3;
	v1 =	vadd.f32 v63, v1  }
0x1b0: {  	[tilespmem:s5+$0x12CD0] =	vst v0  }
0x1b1: {  	s28 =	sadd.s32 s6, s7;
	[tilespmem:s5+$0x12CE0] =	vst v1  }
0x1b2: {  	[hbm4b:s28+s2] =	stream.linear.scatter [tilespmem:s22], [sflag:$0x8], $0x3200, $0x38;
	[tilespmem:$0x15E00] =	vst v63  }
0x1b3: {  	s0 =	simm.s32 $0x5  }
0x1b4: {  	_ =	swait.ge [sflag:s0], $0x3200  }
0x1b5: {  	[sflag:s0] =	ssyncset.done $0x0  }
0x1b6: {  	[sflag:s0] =	ssyncadd.s32 $0xFFFFCE00  }
0x1b7: {  	_ =	swait.ge [sflag:s29], $0x3200  }
0x1b8: {  	[sflag:s29] =	ssyncset.done $0x0  }
0x1b9: {  	[sflag:s29] =	ssyncadd.s32 $0xFFFFCE00  }
0x1ba: {  	_ =	swait.ge [sflag:s30], $0x3200  }
0x1bb: {  	[sflag:s30] =	ssyncset.done $0x0  }
0x1bc: {  	[sflag:s30] =	ssyncadd.s32 $0xFFFFCE00  }
0x1bd: {  	_ =	swait.ge [sflag:s31], $0x3200  }
0x1be: {  	s1 =	sadd.s32 $0x1, s1;
	s28 =	rddreg [dreg:$0x4]  }
0x1bf: {  	p0 =	sne.s32 s1, s28  }
.Ltmp5:
0x1c0: {  	_ = 	snop;
	(pc) =	sbr.rel @p0 .LBB2_1-.Ltmp5, $3  }
0x1c1: {  	_ =	sdelay $0x1  }
0x1c2: {  	[sflag:s31] =	ssyncset.done $0x0  }
0x1c3: {  	[sflag:s31] =	ssyncadd.s32 $0xFFFFCE00  }
0x1c4: {  	_ =	sfence.sel $0x180000  }
0x1c5: {  	[bflag:$0x0] =	sbarrier.arrive $0xFFFF  }
0x1c6: {  	_ =	strace $0x90000047  }
0x1c7: {  	s0 =	stileid.u32;
	[bflag:$0x2] =	sbarrier.arrive $0xFFFF  }
0x1c8: {  	p0 =	sne.s32 s0, $0x0;
	s0 =	rddreg [dreg:$0x1]  }
0x1c9: {  	s0 =	sadd.s32 @!p0 $0x100000, s0  }
0x1ca: {  	[sflag:s0] =	ssyncadd.tile.s32 @!p0 $0x1;
	_ =	shalt  }
.Lfunc_end2:
_tile_overlayer_lowered:
.L_overlay_start_2:
0x1cb: {  	(tag) =	ssettag $0x2  }
0x1cc: {  	s0 =	rddreg [dreg:$0x0];
	s2 =	stileid.u32  }
0x1cd: {  	s1 =	rddreg [dreg:$0x1];
	p0 =	sne.s32 s2, $0x0  }
0x1ce: {  	s3 =	rddreg [dreg:$0x2];
	[bflag:$0x3] =	sbarrier.arrive $0xFFFF;
	s2 =	simm.s32 @!p0 $0x1C09  }
0x1cf: {  	[timem:s3], [sflag:s2] =	dma.local @!p0 [hbm:s0], s1  }
0x1d0: {  	s0 =	simm.s32 @!p0 $0x9  }
0x1d1: {  	_ =	swait.ge @!p0 [sflag:s0], s1  }
0x1d2: {  	s1 =	ssub.s32 @!p0 $0x0, s1;
	[sflag:s0] =	ssyncset.done @!p0 $0x0  }
0x1d3: {  	[sflag:s0] =	ssyncadd.s32 @!p0 s1  }
0x1d4: {  	[bflag:$0x3] =	sbarrier.arrive $0xFFFF  }
0x1d5: {  	_ =	shalt  }

</sc_bundles>
